<compile_context>
chip_gen: v7x
topology: tpu7x:2x2x1
jax: 0.10.2.dev20260603
libtpu: 0.0.44.dev20260713+nightly
codegen_flags: <defaults>
</compile_context>

<pallas_src>
import functools

import jax
import jax.numpy as jnp
from jax import lax
from jax.experimental import pallas as pl
from jax.experimental.pallas import tpu as pltpu, tpu_sc as plsc

_ALPHA = 0.7
_BETA = 0.3
_SMOOTH = 1.0

_INFO = plsc.get_sparse_core_info()
_NC, _NS, _L = _INFO.num_cores, _INFO.num_subcores, _INFO.num_lanes
_NW = _NC * _NS
_DSC = 24
_DBLK = 8


def _make_sc_sums(B, C, V, v_sc):
    per_w = v_sc // _NW
    ch = per_w
    while ch > 8192:
        ch //= 2
    n_ch = per_w // ch
    n_steps = B * n_ch
    mesh = plsc.VectorSubcoreMesh(core_axis_name="c", subcore_axis_name="s")
    scratch = (
        [pltpu.VMEM((ch,), jnp.float32) for _ in range(2)]
        + [pltpu.VMEM((ch,), jnp.int32) for _ in range(2)]
        + [pltpu.VMEM((B * 3 * _L,), jnp.float32)]
        + [pltpu.SemaphoreType.DMA for _ in range(4)]
    )

    @functools.partial(
        pl.kernel,
        mesh=mesh,
        out_type=jax.ShapeDtypeStruct((B * 3, _NW * _L), jnp.float32),
        scratch_types=scratch,
    )
    def sc_sums(x_hbm, t_hbm, out_hbm, xv0, xv1, tv0, tv1, outv,
                sx0, sx1, st0, st1):
        wid = lax.axis_index("s") * _NC + lax.axis_index("c")
        base = wid * per_w
        zero = jnp.zeros((_L,), jnp.float32)
        for r in range(B * 3):
            outv[pl.ds(r * _L, _L)] = zero

        def issue(i, xv, tv, sx, st):
            b = i // n_ch
            off = base + (i - b * n_ch) * ch
            pltpu.async_copy(
                x_hbm.at[pl.ds((b * C + (C - 1)) * V + off, ch)], xv, sx)
            pltpu.async_copy(t_hbm.at[pl.ds(b * V + off, ch)], tv, st)

        def process(i, xv, tv, sx, st):
            pltpu.make_async_copy(x_hbm.at[pl.ds(0, ch)], xv, sx).wait()
            pltpu.make_async_copy(t_hbm.at[pl.ds(0, ch)], tv, st).wait()

            def inner(j, carry):
                s, t, n = carry
                xs = xv[pl.ds(j * _L, _L)]
                ts = tv[pl.ds(j * _L, _L)]
                m = ts == (C - 1)
                s = s + xs
                t = t + jnp.where(m, xs, 0.0)
                n = n + jnp.where(m, 1.0, 0.0)
                return s, t, n

            S, T, N = lax.fori_loop(0, ch // _L, inner, (zero, zero, zero),
                                    unroll=4)
            boff = (i // n_ch) * 3 * _L
            outv[pl.ds(boff, _L)] = outv[pl.ds(boff, _L)] + S
            outv[pl.ds(boff + _L, _L)] = outv[pl.ds(boff + _L, _L)] + T
            outv[pl.ds(boff + 2 * _L, _L)] = outv[pl.ds(boff + 2 * _L, _L)] + N

        issue(0, xv0, tv0, sx0, st0)
        if n_steps > 1:
            issue(1, xv1, tv1, sx1, st1)

        def body(jj, _):
            i0 = 2 * jj
            for (i, xv, tv, sx, st) in ((i0, xv0, tv0, sx0, st0),
                                        (i0 + 1, xv1, tv1, sx1, st1)):
                process(i, xv, tv, sx, st)

                @pl.when(i + 2 < n_steps)
                def _(i=i, xv=xv, tv=tv, sx=sx, st=st):
                    issue(i + 2, xv, tv, sx, st)
            return 0

        lax.fori_loop(0, max(n_steps // 2, 1), body, 0)
        for r in range(B * 3):
            pltpu.sync_copy(outv.at[pl.ds(r * _L, _L)],
                            out_hbm.at[r, pl.ds(wid * _L, _L)])

    return sc_sums


def _tc_sums_body(x_ref, t_ref, o_ref, o2_ref):
    d = pl.program_id(1)
    xb = x_ref[0, 0]
    m = (t_ref[0] == 3).astype(jnp.float32)
    xr = xb.reshape(-1, 8, 128)
    mr = m.reshape(-1, 8, 128)

    @pl.when(d == 0)
    def _():
        o_ref[...] = jnp.zeros_like(o_ref)

    o_ref[0, 0] += xr.sum(0)
    o_ref[0, 1] += (xr * mr).sum(0)
    o_ref[0, 2] += mr.sum(0)

    @pl.when(d == pl.num_programs(1) - 1)
    def _():
        for k in range(3):
            o2_ref[0, 0, k] = jnp.sum(o_ref[0, k])


def _make_combine_body(B):
    def _combine_body(sc_ref, tcs_ref, o_ref):
        acc = 0.0
        for b in range(B):
            S = jnp.sum(sc_ref[3 * b + 0]) + tcs_ref[b, 0, 0]
            T = jnp.sum(sc_ref[3 * b + 1]) + tcs_ref[b, 0, 1]
            N = jnp.sum(sc_ref[3 * b + 2]) + tcs_ref[b, 0, 2]
            acc += (T + _SMOOTH) / (
                T + _ALPHA * (N - T) + _BETA * (S - T) + _SMOOTH)
        o_ref[0, 0] = -acc / B

    return _combine_body


def _tc_leg(inputs, targets, d_lo, d_hi):
    B, C, D, H, W = inputs.shape
    d_off = d_lo // _DBLK
    return pl.pallas_call(
        _tc_sums_body,
        grid=(B, (d_hi - d_lo) // _DBLK),
        in_specs=[
            pl.BlockSpec((1, 1, _DBLK, H, W),
                         lambda b, d: (b, C - 1, d + d_off, 0, 0)),
            pl.BlockSpec((1, _DBLK, H, W), lambda b, d: (b, d + d_off, 0, 0)),
        ],
        out_specs=[
            pl.BlockSpec((1, 3, 8, 128), lambda b, d: (b, 0, 0, 0)),
            pl.BlockSpec(memory_space=pltpu.SMEM, block_shape=(1, 1, 3),
                         index_map=lambda b, d: (b, 0, 0)),
        ],
        out_shape=[
            jax.ShapeDtypeStruct((B, 3, 8, 128), jnp.float32),
            jax.ShapeDtypeStruct((B, 1, 3), jnp.float32),
        ],
    )(inputs, targets)


def kernel(inputs, targets):
    B, C, D, H, W = inputs.shape
    V = D * H * W
    v_sc = _DSC * H * W
    xf = inputs.reshape(-1)
    tf = targets.reshape(-1)
    sc_part = _make_sc_sums(B, C, V, v_sc)(xf, tf)
    _, tc_sums = _tc_leg(inputs, targets, _DSC, D)
    loss = pl.pallas_call(
        _make_combine_body(B),
        in_specs=[
            pl.BlockSpec(memory_space=pltpu.VMEM),
            pl.BlockSpec(memory_space=pltpu.SMEM),
        ],
        out_specs=pl.BlockSpec(memory_space=pltpu.SMEM),
        out_shape=jax.ShapeDtypeStruct((1, 1), jnp.float32),
    )(sc_part, tc_sums)
    return loss[0, 0]

# --- scband reference (transcript-rebuilt; emitter-appended) ---
"""Pipeline reference for scband-tversky-loss-50199577755744 (READ-ONLY COPY).

The authoritative reference and input builder live on the scoring server;
editing this copy changes nothing except your own understanding.
"""

import jax, jax.numpy as jnp
import numpy as np

ALPHA = 0.7
BETA = 0.3
SMOOTH = 1.0


def setup_inputs(seed: int = 0) -> dict:
    key = jax.random.key(seed)
    k1, k2 = jax.random.split(key)
    inputs = jax.random.uniform(k1, (2, 4, 64, 128, 128), dtype=jnp.float32)
    targets = jax.random.randint(k2, (2, 64, 128, 128), 0, 4, dtype=jnp.int64 if jax.config.read('jax_enable_x64') else jnp.int32).astype(jnp.int32)
    return {"inputs": inputs, "targets": targets}


def reference(inputs, targets):
    # targets: int labels [B, D, H, W] -> one-hot [B, C, D, H, W] (mirrors scatter_ on dim 1)
    C = inputs.shape[1]
    onehot = (targets[:, None, :, :, :] == jnp.arange(C, dtype=targets.dtype)[None, :, None, None, None]).astype(inputs.dtype)
    tp = (inputs * onehot).sum(axis=(2, 3, 4))
    fp = (inputs * (1.0 - onehot)).sum(axis=(2, 3, 4))
    fn = ((1.0 - inputs) * onehot).sum(axis=(2, 3, 4))
    tversky = (tp + SMOOTH) / (tp + ALPHA * fn + BETA * fp + SMOOTH)
    return -tversky[:, -1].mean()

if __name__ == "__main__":
    import jax
    _d = setup_inputs()
    print(jax.jit(kernel)(*tuple(_d.values())))

</pallas_src>

<mosaic_0001>
#map = affine_map<(d0, d1) -> (0)>
#map1 = affine_map<(d0, d1) -> (0, 0)>
module attributes {stable_mosaic.version = 14 : i64} {
  func.func @sc_sums(%arg0: i32, %arg1: i32, %arg2: memref<8388608xf32, #tpu.memory_space<hbm>>, %arg3: memref<2097152xi32, #tpu.memory_space<hbm>>, %arg4: memref<6x512xf32, #tpu.memory_space<hbm>>, %arg5: memref<6144xf32, #tpu.memory_space<vmem>>, %arg6: memref<6144xf32, #tpu.memory_space<vmem>>, %arg7: memref<6144xi32, #tpu.memory_space<vmem>>, %arg8: memref<6144xi32, #tpu.memory_space<vmem>>, %arg9: memref<96xf32, #tpu.memory_space<vmem>>, %arg10: memref<!tpu.dma_semaphore, #tpu.memory_space<semaphore_mem>>, %arg11: memref<!tpu.dma_semaphore, #tpu.memory_space<semaphore_mem>>, %arg12: memref<!tpu.dma_semaphore, #tpu.memory_space<semaphore_mem>>, %arg13: memref<!tpu.dma_semaphore, #tpu.memory_space<semaphore_mem>>) attributes {dimension_semantics = [#tpu.dimension_semantics<core_parallel>, #tpu.dimension_semantics<subcore_parallel>], iteration_bounds = array<i64: 2, 16>, scalar_prefetch = 0 : i64, scratch_operands = 9 : i64, tpu.core_type = #tpu.core_type<sc_vector_subcore>, window_params = [{transform_indices = #map}, {transform_indices = #map}, {transform_indices = #map1}]} {
    %mul3A = arith.constant 2 : i32
    %mul3A_0 = arith.muli %arg1, %mul3A : i32
    %add3A = arith.addi %mul3A_0, %arg0 : i32
    %mul3A_1 = arith.constant 12288 : i32
    %mul3A_2 = arith.muli %add3A, %mul3A_1 : i32
    %broadcast_in_dim3A = arith.constant 0.000000e+00 : f32
    %broadcast_in_dim3A_3 = vector.broadcast %broadcast_in_dim3A : f32 to vector<16xf32>
    %swap3A = arith.constant 0 : index
    %swap3A_4 = tpu.vector_load %arg9[%swap3A] {strides = array<i32>} : memref<96xf32, #tpu.memory_space<vmem>>, vector<16xf32>,
    %swap3A_5 = vector.shape_cast %swap3A_4 : vector<16xf32> to vector<16xf32>
    %swap3A_6 = vector.shape_cast %broadcast_in_dim3A_3 : vector<16xf32> to vector<16xf32>
    tpu.vector_store %arg9[%swap3A], %swap3A_6 {strides = array<i32>} : memref<96xf32, #tpu.memory_space<vmem>>, vector<16xf32>,
    %swap3A_7 = arith.constant 16 : index
    %swap3A_8 = tpu.vector_load %arg9[%swap3A_7] {strides = array<i32>} : memref<96xf32, #tpu.memory_space<vmem>>, vector<16xf32>,
    %swap3A_9 = vector.shape_cast %swap3A_8 : vector<16xf32> to vector<16xf32>
    %swap3A_10 = vector.shape_cast %broadcast_in_dim3A_3 : vector<16xf32> to vector<16xf32>
    tpu.vector_store %arg9[%swap3A_7], %swap3A_10 {strides = array<i32>} : memref<96xf32, #tpu.memory_space<vmem>>, vector<16xf32>,
    %swap3A_11 = arith.constant 32 : index
    %swap3A_12 = tpu.vector_load %arg9[%swap3A_11] {strides = array<i32>} : memref<96xf32, #tpu.memory_space<vmem>>, vector<16xf32>,
    %swap3A_13 = vector.shape_cast %swap3A_12 : vector<16xf32> to vector<16xf32>
    %swap3A_14 = vector.shape_cast %broadcast_in_dim3A_3 : vector<16xf32> to vector<16xf32>
    tpu.vector_store %arg9[%swap3A_11], %swap3A_14 {strides = array<i32>} : memref<96xf32, #tpu.memory_space<vmem>>, vector<16xf32>,
    %swap3A_15 = arith.constant 48 : index
    %swap3A_16 = tpu.vector_load %arg9[%swap3A_15] {strides = array<i32>} : memref<96xf32, #tpu.memory_space<vmem>>, vector<16xf32>,
    %swap3A_17 = vector.shape_cast %swap3A_16 : vector<16xf32> to vector<16xf32>
    %swap3A_18 = vector.shape_cast %broadcast_in_dim3A_3 : vector<16xf32> to vector<16xf32>
    tpu.vector_store %arg9[%swap3A_15], %swap3A_18 {strides = array<i32>} : memref<96xf32, #tpu.memory_space<vmem>>, vector<16xf32>,
    %swap3A_19 = arith.constant 64 : index
    %swap3A_20 = tpu.vector_load %arg9[%swap3A_19] {strides = array<i32>} : memref<96xf32, #tpu.memory_space<vmem>>, vector<16xf32>,
    %swap3A_21 = vector.shape_cast %swap3A_20 : vector<16xf32> to vector<16xf32>
    %swap3A_22 = vector.shape_cast %broadcast_in_dim3A_3 : vector<16xf32> to vector<16xf32>
    tpu.vector_store %arg9[%swap3A_19], %swap3A_22 {strides = array<i32>} : memref<96xf32, #tpu.memory_space<vmem>>, vector<16xf32>,
    %swap3A_23 = arith.constant 80 : index
    %swap3A_24 = tpu.vector_load %arg9[%swap3A_23] {strides = array<i32>} : memref<96xf32, #tpu.memory_space<vmem>>, vector<16xf32>,
    %swap3A_25 = vector.shape_cast %swap3A_24 : vector<16xf32> to vector<16xf32>
    %swap3A_26 = vector.shape_cast %broadcast_in_dim3A_3 : vector<16xf32> to vector<16xf32>
    tpu.vector_store %arg9[%swap3A_23], %swap3A_26 {strides = array<i32>} : memref<96xf32, #tpu.memory_space<vmem>>, vector<16xf32>,
    %add3A_27 = arith.constant 0 : i32
    %add3A_28 = arith.addi %mul3A_2, %add3A_27 : i32
    %add3A_29 = arith.constant 3145728 : i32
    %add3A_30 = arith.addi %add3A_29, %add3A_28 : i32
    %dma_start3A = tpu.memref_slice %arg2[%add3A_30] : memref<8388608xf32, #tpu.memory_space<hbm>> -> memref<6144xf32, #tpu.memory_space<hbm>>
    %dma_start3A_31 = tpu.memref_slice %arg2[%add3A_30] : memref<8388608xf32, #tpu.memory_space<hbm>> -> memref<6144xf32, #tpu.memory_space<hbm>>
    tpu.enqueue_dma source(%dma_start3A_31 : memref<6144xf32, #tpu.memory_space<hbm>>) target(%arg5 : memref<6144xf32, #tpu.memory_space<vmem>>) target_semaphore(%arg10 : memref<!tpu.dma_semaphore, #tpu.memory_space<semaphore_mem>>)
    %add3A_32 = arith.constant 0 : i32
    %add3A_33 = arith.addi %add3A_32, %add3A_28 : i32
    %dma_start3A_34 = tpu.memref_slice %arg3[%add3A_33] : memref<2097152xi32, #tpu.memory_space<hbm>> -> memref<6144xi32, #tpu.memory_space<hbm>>
    %dma_start3A_35 = tpu.memref_slice %arg3[%add3A_33] : memref<2097152xi32, #tpu.memory_space<hbm>> -> memref<6144xi32, #tpu.memory_space<hbm>>
    tpu.enqueue_dma source(%dma_start3A_35 : memref<6144xi32, #tpu.memory_space<hbm>>) target(%arg7 : memref<6144xi32, #tpu.memory_space<vmem>>) target_semaphore(%arg12 : memref<!tpu.dma_semaphore, #tpu.memory_space<semaphore_mem>>)
    %add3A_36 = arith.constant 6144 : i32
    %add3A_37 = arith.addi %mul3A_2, %add3A_36 : i32
    %add3A_38 = arith.constant 3145728 : i32
    %add3A_39 = arith.addi %add3A_38, %add3A_37 : i32
    %dma_start3A_40 = tpu.memref_slice %arg2[%add3A_39] : memref<8388608xf32, #tpu.memory_space<hbm>> -> memref<6144xf32, #tpu.memory_space<hbm>>
    %dma_start3A_41 = tpu.memref_slice %arg2[%add3A_39] : memref<8388608xf32, #tpu.memory_space<hbm>> -> memref<6144xf32, #tpu.memory_space<hbm>>
    tpu.enqueue_dma source(%dma_start3A_41 : memref<6144xf32, #tpu.memory_space<hbm>>) target(%arg6 : memref<6144xf32, #tpu.memory_space<vmem>>) target_semaphore(%arg11 : memref<!tpu.dma_semaphore, #tpu.memory_space<semaphore_mem>>)
    %add3A_42 = arith.constant 0 : i32
    %add3A_43 = arith.addi %add3A_42, %add3A_37 : i32
    %dma_start3A_44 = tpu.memref_slice %arg3[%add3A_43] : memref<2097152xi32, #tpu.memory_space<hbm>> -> memref<6144xi32, #tpu.memory_space<hbm>>
    %dma_start3A_45 = tpu.memref_slice %arg3[%add3A_43] : memref<2097152xi32, #tpu.memory_space<hbm>> -> memref<6144xi32, #tpu.memory_space<hbm>>
    tpu.enqueue_dma source(%dma_start3A_45 : memref<6144xi32, #tpu.memory_space<hbm>>) target(%arg8 : memref<6144xi32, #tpu.memory_space<vmem>>) target_semaphore(%arg13 : memref<!tpu.dma_semaphore, #tpu.memory_space<semaphore_mem>>)
    %scan3A = arith.constant 0 : i32
    %scan3A_46 = arith.constant 0 : i32
    %scan3A_47 = arith.constant 2 : i32
    %scan3A_48 = arith.addi %scan3A_46, %scan3A_47 : i32
    %scan3A_49 = arith.constant 1 : i32
    %scan3A_50 = scf.for %scan3A_69 = %scan3A_46 to %scan3A_48 step %scan3A_49 iter_args(%scan3A_70 = %scan3A) -> (i32)  : i32 {
      %mul3A_71 = arith.constant 2 : i32
      %mul3A_72 = arith.muli %mul3A_71, %scan3A_69 : i32
      %add3A_73 = arith.constant 1 : i32
      %add3A_74 = arith.addi %mul3A_72, %add3A_73 : i32
      %dma_wait3A = arith.constant 0 : i32
      %dma_wait3A_75 = tpu.memref_slice %arg2[%dma_wait3A] : memref<8388608xf32, #tpu.memory_space<hbm>> -> memref<6144xf32, #tpu.memory_space<hbm>>
      %dma_wait3A_76 = arith.constant 0 : i32
      %dma_wait3A_77 = tpu.memref_slice %arg2[%dma_wait3A_76] : memref<8388608xf32, #tpu.memory_space<hbm>> -> memref<6144xf32, #tpu.memory_space<hbm>>
      tpu.wait_dma2 semaphore(%arg10 : memref<!tpu.dma_semaphore, #tpu.memory_space<semaphore_mem>>) src(%dma_wait3A_77 : memref<6144xf32, #tpu.memory_space<hbm>>) dst(%arg5 : memref<6144xf32, #tpu.memory_space<vmem>>)
      %dma_wait3A_78 = arith.constant 0 : i32
      %dma_wait3A_79 = tpu.memref_slice %arg3[%dma_wait3A_78] : memref<2097152xi32, #tpu.memory_space<hbm>> -> memref<6144xi32, #tpu.memory_space<hbm>>
      %dma_wait3A_80 = arith.constant 0 : i32
      %dma_wait3A_81 = tpu.memref_slice %arg3[%dma_wait3A_80] : memref<2097152xi32, #tpu.memory_space<hbm>> -> memref<6144xi32, #tpu.memory_space<hbm>>
      tpu.wait_dma2 semaphore(%arg12 : memref<!tpu.dma_semaphore, #tpu.memory_space<semaphore_mem>>) src(%dma_wait3A_81 : memref<6144xi32, #tpu.memory_space<hbm>>) dst(%arg7 : memref<6144xi32, #tpu.memory_space<vmem>>)
      %scan3A_82 = arith.constant 0 : i32
      %scan3A_83 = arith.constant 384 : i32
      %scan3A_84 = arith.addi %scan3A_82, %scan3A_83 : i32
      %scan3A_85 = arith.constant 4 : i32
      %scan3A_86:3 = scf.for %scan3A_225 = %scan3A_82 to %scan3A_84 step %scan3A_85 iter_args(%scan3A_226 = %broadcast_in_dim3A_3, %scan3A_227 = %broadcast_in_dim3A_3, %scan3A_228 = %broadcast_in_dim3A_3) -> (vector<16xf32>, vector<16xf32>, vector<16xf32>)  : i32 {
        %mul3A_229 = arith.constant 16 : i32
        %mul3A_230 = arith.muli %scan3A_225, %mul3A_229 : i32
        %get3A_231 = arith.index_cast %mul3A_230 : i32 to index
        %get3A_232 = tpu.vector_load %arg5[%get3A_231] {strides = array<i32>} : memref<6144xf32, #tpu.memory_space<vmem>>, vector<16xf32>,
        %get3A_233 = vector.shape_cast %get3A_232 : vector<16xf32> to vector<16xf32>
        %mul3A_234 = arith.constant 16 : i32
        %mul3A_235 = arith.muli %scan3A_225, %mul3A_234 : i32
        %get3A_236 = arith.index_cast %mul3A_235 : i32 to index
        %get3A_237 = tpu.vector_load %arg7[%get3A_236] {strides = array<i32>} : memref<6144xi32, #tpu.memory_space<vmem>>, vector<16xi32>,
        %get3A_238 = vector.shape_cast %get3A_237 : vector<16xi32> to vector<16xi32>
        %eq3A = arith.constant 3 : i32
        %eq3A_239 = vector.broadcast %eq3A : i32 to vector<16xi32>
        %eq3A_240 = arith.cmpi eq, %get3A_238, %eq3A_239 : vector<16xi32>
        %add3A_241 = arith.addf %scan3A_226, %get3A_233 : vector<16xf32>
        %jit3A_242 = arith.constant 0.000000e+00 : f32
        %broadcast_in_dim3A_243 = vector.broadcast %jit3A_242 : f32 to vector<16xf32>
        %select_n3A_244 = arith.select %eq3A_240, %get3A_233, %broadcast_in_dim3A_243 : vector<16xi1>, vector<16xf32>
        %add3A_245 = arith.addf %scan3A_227, %select_n3A_244 : vector<16xf32>
        %jit3A_246 = arith.constant 1.000000e+00 : f32
        %jit3A_247 = arith.constant 0.000000e+00 : f32
        %broadcast_in_dim3A_248 = vector.broadcast %jit3A_246 : f32 to vector<16xf32>
        %broadcast_in_dim3A_249 = vector.broadcast %jit3A_247 : f32 to vector<16xf32>
        %select_n3A_250 = arith.select %eq3A_240, %broadcast_in_dim3A_248, %broadcast_in_dim3A_249 : vector<16xi1>, vector<16xf32>
        %add3A_251 = arith.addf %scan3A_228, %select_n3A_250 : vector<16xf32>
        %scan3A_252 = arith.constant 1 : i32
        %scan3A_253 = arith.addi %scan3A_225, %scan3A_252 : i32
        %mul3A_254 = arith.constant 16 : i32
        %mul3A_255 = arith.muli %scan3A_253, %mul3A_254 : i32
        %get3A_256 = arith.index_cast %mul3A_255 : i32 to index
        %get3A_257 = tpu.vector_load %arg5[%get3A_256] {strides = array<i32>} : memref<6144xf32, #tpu.memory_space<vmem>>, vector<16xf32>,
        %get3A_258 = vector.shape_cast %get3A_257 : vector<16xf32> to vector<16xf32>
        %mul3A_259 = arith.constant 16 : i32
        %mul3A_260 = arith.muli %scan3A_253, %mul3A_259 : i32
        %get3A_261 = arith.index_cast %mul3A_260 : i32 to index
        %get3A_262 = tpu.vector_load %arg7[%get3A_261] {strides = array<i32>} : memref<6144xi32, #tpu.memory_space<vmem>>, vector<16xi32>,
        %get3A_263 = vector.shape_cast %get3A_262 : vector<16xi32> to vector<16xi32>
        %eq3A_264 = arith.constant 3 : i32
        %eq3A_265 = vector.broadcast %eq3A_264 : i32 to vector<16xi32>
        %eq3A_266 = arith.cmpi eq, %get3A_263, %eq3A_265 : vector<16xi32>
        %add3A_267 = arith.addf %add3A_241, %get3A_258 : vector<16xf32>
        %jit3A_268 = arith.constant 0.000000e+00 : f32
        %broadcast_in_dim3A_269 = vector.broadcast %jit3A_268 : f32 to vector<16xf32>
        %select_n3A_270 = arith.select %eq3A_266, %get3A_258, %broadcast_in_dim3A_269 : vector<16xi1>, vector<16xf32>
        %add3A_271 = arith.addf %add3A_245, %select_n3A_270 : vector<16xf32>
        %jit3A_272 = arith.constant 1.000000e+00 : f32
        %jit3A_273 = arith.constant 0.000000e+00 : f32
        %broadcast_in_dim3A_274 = vector.broadcast %jit3A_272 : f32 to vector<16xf32>
        %broadcast_in_dim3A_275 = vector.broadcast %jit3A_273 : f32 to vector<16xf32>
        %select_n3A_276 = arith.select %eq3A_266, %broadcast_in_dim3A_274, %broadcast_in_dim3A_275 : vector<16xi1>, vector<16xf32>
        %add3A_277 = arith.addf %add3A_251, %select_n3A_276 : vector<16xf32>
        %scan3A_278 = arith.constant 2 : i32
        %scan3A_279 = arith.addi %scan3A_225, %scan3A_278 : i32
        %mul3A_280 = arith.constant 16 : i32
        %mul3A_281 = arith.muli %scan3A_279, %mul3A_280 : i32
        %get3A_282 = arith.index_cast %mul3A_281 : i32 to index
        %get3A_283 = tpu.vector_load %arg5[%get3A_282] {strides = array<i32>} : memref<6144xf32, #tpu.memory_space<vmem>>, vector<16xf32>,
        %get3A_284 = vector.shape_cast %get3A_283 : vector<16xf32> to vector<16xf32>
        %mul3A_285 = arith.constant 16 : i32
        %mul3A_286 = arith.muli %scan3A_279, %mul3A_285 : i32
        %get3A_287 = arith.index_cast %mul3A_286 : i32 to index
        %get3A_288 = tpu.vector_load %arg7[%get3A_287] {strides = array<i32>} : memref<6144xi32, #tpu.memory_space<vmem>>, vector<16xi32>,
        %get3A_289 = vector.shape_cast %get3A_288 : vector<16xi32> to vector<16xi32>
        %eq3A_290 = arith.constant 3 : i32
        %eq3A_291 = vector.broadcast %eq3A_290 : i32 to vector<16xi32>
        %eq3A_292 = arith.cmpi eq, %get3A_289, %eq3A_291 : vector<16xi32>
        %add3A_293 = arith.addf %add3A_267, %get3A_284 : vector<16xf32>
        %jit3A_294 = arith.constant 0.000000e+00 : f32
        %broadcast_in_dim3A_295 = vector.broadcast %jit3A_294 : f32 to vector<16xf32>
        %select_n3A_296 = arith.select %eq3A_292, %get3A_284, %broadcast_in_dim3A_295 : vector<16xi1>, vector<16xf32>
        %add3A_297 = arith.addf %add3A_271, %select_n3A_296 : vector<16xf32>
        %jit3A_298 = arith.constant 1.000000e+00 : f32
        %jit3A_299 = arith.constant 0.000000e+00 : f32
        %broadcast_in_dim3A_300 = vector.broadcast %jit3A_298 : f32 to vector<16xf32>
        %broadcast_in_dim3A_301 = vector.broadcast %jit3A_299 : f32 to vector<16xf32>
        %select_n3A_302 = arith.select %eq3A_292, %broadcast_in_dim3A_300, %broadcast_in_dim3A_301 : vector<16xi1>, vector<16xf32>
        %add3A_303 = arith.addf %add3A_277, %select_n3A_302 : vector<16xf32>
        %scan3A_304 = arith.constant 3 : i32
        %scan3A_305 = arith.addi %scan3A_225, %scan3A_304 : i32
        %mul3A_306 = arith.constant 16 : i32
        %mul3A_307 = arith.muli %scan3A_305, %mul3A_306 : i32
        %get3A_308 = arith.index_cast %mul3A_307 : i32 to index
        %get3A_309 = tpu.vector_load %arg5[%get3A_308] {strides = array<i32>} : memref<6144xf32, #tpu.memory_space<vmem>>, vector<16xf32>,
        %get3A_310 = vector.shape_cast %get3A_309 : vector<16xf32> to vector<16xf32>
        %mul3A_311 = arith.constant 16 : i32
        %mul3A_312 = arith.muli %scan3A_305, %mul3A_311 : i32
        %get3A_313 = arith.index_cast %mul3A_312 : i32 to index
        %get3A_314 = tpu.vector_load %arg7[%get3A_313] {strides = array<i32>} : memref<6144xi32, #tpu.memory_space<vmem>>, vector<16xi32>,
        %get3A_315 = vector.shape_cast %get3A_314 : vector<16xi32> to vector<16xi32>
        %eq3A_316 = arith.constant 3 : i32
        %eq3A_317 = vector.broadcast %eq3A_316 : i32 to vector<16xi32>
        %eq3A_318 = arith.cmpi eq, %get3A_315, %eq3A_317 : vector<16xi32>
        %add3A_319 = arith.addf %add3A_293, %get3A_310 : vector<16xf32>
        %jit3A_320 = arith.constant 0.000000e+00 : f32
        %broadcast_in_dim3A_321 = vector.broadcast %jit3A_320 : f32 to vector<16xf32>
        %select_n3A_322 = arith.select %eq3A_318, %get3A_310, %broadcast_in_dim3A_321 : vector<16xi1>, vector<16xf32>
        %add3A_323 = arith.addf %add3A_297, %select_n3A_322 : vector<16xf32>
        %jit3A_324 = arith.constant 1.000000e+00 : f32
        %jit3A_325 = arith.constant 0.000000e+00 : f32
        %broadcast_in_dim3A_326 = vector.broadcast %jit3A_324 : f32 to vector<16xf32>
        %broadcast_in_dim3A_327 = vector.broadcast %jit3A_325 : f32 to vector<16xf32>
        %select_n3A_328 = arith.select %eq3A_318, %broadcast_in_dim3A_326, %broadcast_in_dim3A_327 : vector<16xi1>, vector<16xf32>
        %add3A_329 = arith.addf %add3A_303, %select_n3A_328 : vector<16xf32>
        scf.yield %add3A_319, %add3A_323, %add3A_329 : vector<16xf32>, vector<16xf32>, vector<16xf32>
      }
      %scan3A_87 = arith.constant 384 : i32
      %jit3A = arith.constant 2 : i32
      %div3A = arith.divsi %mul3A_72, %jit3A : i32
      %sign3A = arith.constant 0 : i32
      %sign3A_88 = arith.cmpi sgt, %mul3A_72, %sign3A : i32
      %sign3A_89 = arith.extui %sign3A_88 : i1 to i32
      %sign3A_90 = arith.constant 0 : i32
      %sign3A_91 = arith.cmpi slt, %mul3A_72, %sign3A_90 : i32
      %sign3A_92 = arith.extui %sign3A_91 : i1 to i32
      %sign3A_93 = arith.subi %sign3A_89, %sign3A_92 : i32
      %sign3A_94 = arith.constant 0 : i32
      %sign3A_95 = arith.cmpi sgt, %jit3A, %sign3A_94 : i32
      %sign3A_96 = arith.extui %sign3A_95 : i1 to i32
      %sign3A_97 = arith.constant 0 : i32
      %sign3A_98 = arith.cmpi slt, %jit3A, %sign3A_97 : i32
      %sign3A_99 = arith.extui %sign3A_98 : i1 to i32
      %sign3A_100 = arith.subi %sign3A_96, %sign3A_99 : i32
      %ne3A = arith.cmpi ne, %sign3A_93, %sign3A_100 : i32
      %rem3A = arith.remsi %mul3A_72, %jit3A : i32
      %ne3A_101 = arith.constant 0 : i32
      %ne3A_102 = arith.cmpi ne, %rem3A, %ne3A_101 : i32
      %and3A = arith.andi %ne3A, %ne3A_102 : i1
      %sub3A = arith.constant 1 : i32
      %sub3A_103 = arith.subi %div3A, %sub3A : i32
      %select_n3A = arith.select %and3A, %sub3A_103, %div3A : i32
      %mul3A_104 = arith.constant 3 : i32
      %mul3A_105 = arith.muli %select_n3A, %mul3A_104 : i32
      %mul3A_106 = arith.constant 16 : i32
      %mul3A_107 = arith.muli %mul3A_105, %mul3A_106 : i32
      %get3A = arith.index_cast %mul3A_107 : i32 to index
      %get3A_108 = tpu.vector_load %arg9[%get3A] {strides = array<i32>} : memref<96xf32, #tpu.memory_space<vmem>>, vector<16xf32>,
      %get3A_109 = vector.shape_cast %get3A_108 : vector<16xf32> to vector<16xf32>
      %add3A_110 = arith.addf %get3A_109, %scan3A_86#0 : vector<16xf32>
      %swap3A_111 = arith.index_cast %mul3A_107 : i32 to index
      %swap3A_112 = tpu.vector_load %arg9[%swap3A_111] {strides = array<i32>} : memref<96xf32, #tpu.memory_space<vmem>>, vector<16xf32>,
      %swap3A_113 = vector.shape_cast %swap3A_112 : vector<16xf32> to vector<16xf32>
      %swap3A_114 = vector.shape_cast %add3A_110 : vector<16xf32> to vector<16xf32>
      tpu.vector_store %arg9[%swap3A_111], %swap3A_114 {strides = array<i32>} : memref<96xf32, #tpu.memory_space<vmem>>, vector<16xf32>,
      %add3A_115 = arith.constant 16 : i32
      %add3A_116 = arith.addi %mul3A_107, %add3A_115 : i32
      %get3A_117 = arith.index_cast %add3A_116 : i32 to index
      %get3A_118 = tpu.vector_load %arg9[%get3A_117] {strides = array<i32>} : memref<96xf32, #tpu.memory_space<vmem>>, vector<16xf32>,
      %get3A_119 = vector.shape_cast %get3A_118 : vector<16xf32> to vector<16xf32>
      %add3A_120 = arith.addf %get3A_119, %scan3A_86#1 : vector<16xf32>
      %add3A_121 = arith.constant 16 : i32
      %add3A_122 = arith.addi %mul3A_107, %add3A_121 : i32
      %swap3A_123 = arith.index_cast %add3A_122 : i32 to index
      %swap3A_124 = tpu.vector_load %arg9[%swap3A_123] {strides = array<i32>} : memref<96xf32, #tpu.memory_space<vmem>>, vector<16xf32>,
      %swap3A_125 = vector.shape_cast %swap3A_124 : vector<16xf32> to vector<16xf32>
      %swap3A_126 = vector.shape_cast %add3A_120 : vector<16xf32> to vector<16xf32>
      tpu.vector_store %arg9[%swap3A_123], %swap3A_126 {strides = array<i32>} : memref<96xf32, #tpu.memory_space<vmem>>, vector<16xf32>,
      %add3A_127 = arith.constant 32 : i32
      %add3A_128 = arith.addi %mul3A_107, %add3A_127 : i32
      %get3A_129 = arith.index_cast %add3A_128 : i32 to index
      %get3A_130 = tpu.vector_load %arg9[%get3A_129] {strides = array<i32>} : memref<96xf32, #tpu.memory_space<vmem>>, vector<16xf32>,
      %get3A_131 = vector.shape_cast %get3A_130 : vector<16xf32> to vector<16xf32>
      %add3A_132 = arith.addf %get3A_131, %scan3A_86#2 : vector<16xf32>
      %add3A_133 = arith.constant 32 : i32
      %add3A_134 = arith.addi %mul3A_107, %add3A_133 : i32
      %swap3A_135 = arith.index_cast %add3A_134 : i32 to index
      %swap3A_136 = tpu.vector_load %arg9[%swap3A_135] {strides = array<i32>} : memref<96xf32, #tpu.memory_space<vmem>>, vector<16xf32>,
      %swap3A_137 = vector.shape_cast %swap3A_136 : vector<16xf32> to vector<16xf32>
      %swap3A_138 = vector.shape_cast %add3A_132 : vector<16xf32> to vector<16xf32>
      tpu.vector_store %arg9[%swap3A_135], %swap3A_138 {strides = array<i32>} : memref<96xf32, #tpu.memory_space<vmem>>, vector<16xf32>,
      %add3A_139 = arith.constant 2 : i32
      %add3A_140 = arith.addi %mul3A_72, %add3A_139 : i32
      %lt3A = arith.constant 4 : i32
      %lt3A_141 = arith.cmpi slt, %add3A_140, %lt3A : i32
      %convert_element_type3A = arith.extui %lt3A_141 : i1 to i32
      %cond3A = arith.constant 0 : i32
      %cond3A_142 = arith.cmpi ne, %convert_element_type3A, %cond3A : i32
      scf.if %cond3A_142 {
        %add3A_225 = arith.constant 2 : i32
        %add3A_226 = arith.addi %mul3A_72, %add3A_225 : i32
        %jit3A_227 = arith.constant 2 : i32
        %div3A_228 = arith.divsi %add3A_226, %jit3A_227 : i32
        %sign3A_229 = arith.constant 0 : i32
        %sign3A_230 = arith.cmpi sgt, %add3A_226, %sign3A_229 : i32
        %sign3A_231 = arith.extui %sign3A_230 : i1 to i32
        %sign3A_232 = arith.constant 0 : i32
        %sign3A_233 = arith.cmpi slt, %add3A_226, %sign3A_232 : i32
        %sign3A_234 = arith.extui %sign3A_233 : i1 to i32
        %sign3A_235 = arith.subi %sign3A_231, %sign3A_234 : i32
        %sign3A_236 = arith.constant 0 : i32
        %sign3A_237 = arith.cmpi sgt, %jit3A_227, %sign3A_236 : i32
        %sign3A_238 = arith.extui %sign3A_237 : i1 to i32
        %sign3A_239 = arith.constant 0 : i32
        %sign3A_240 = arith.cmpi slt, %jit3A_227, %sign3A_239 : i32
        %sign3A_241 = arith.extui %sign3A_240 : i1 to i32
        %sign3A_242 = arith.subi %sign3A_238, %sign3A_241 : i32
        %ne3A_243 = arith.cmpi ne, %sign3A_235, %sign3A_242 : i32
        %rem3A_244 = arith.remsi %add3A_226, %jit3A_227 : i32
        %ne3A_245 = arith.constant 0 : i32
        %ne3A_246 = arith.cmpi ne, %rem3A_244, %ne3A_245 : i32
        %and3A_247 = arith.andi %ne3A_243, %ne3A_246 : i1
        %sub3A_248 = arith.constant 1 : i32
        %sub3A_249 = arith.subi %div3A_228, %sub3A_248 : i32
        %select_n3A_250 = arith.select %and3A_247, %sub3A_249, %div3A_228 : i32
        %mul3A_251 = arith.constant 2 : i32
        %mul3A_252 = arith.muli %select_n3A_250, %mul3A_251 : i32
        %sub3A_253 = arith.subi %add3A_226, %mul3A_252 : i32
        %mul3A_254 = arith.constant 6144 : i32
        %mul3A_255 = arith.muli %sub3A_253, %mul3A_254 : i32
        %add3A_256 = arith.addi %mul3A_2, %mul3A_255 : i32
        %mul3A_257 = arith.constant 4 : i32
        %mul3A_258 = arith.muli %select_n3A_250, %mul3A_257 : i32
        %add3A_259 = arith.constant 3 : i32
        %add3A_260 = arith.addi %mul3A_258, %add3A_259 : i32
        %mul3A_261 = arith.constant 1048576 : i32
        %mul3A_262 = arith.muli %add3A_260, %mul3A_261 : i32
        %add3A_263 = arith.addi %mul3A_262, %add3A_256 : i32
        %dma_start3A_264 = tpu.memref_slice %arg2[%add3A_263] : memref<8388608xf32, #tpu.memory_space<hbm>> -> memref<6144xf32, #tpu.memory_space<hbm>>
        %dma_start3A_265 = tpu.memref_slice %arg2[%add3A_263] : memref<8388608xf32, #tpu.memory_space<hbm>> -> memref<6144xf32, #tpu.memory_space<hbm>>
        tpu.enqueue_dma source(%dma_start3A_265 : memref<6144xf32, #tpu.memory_space<hbm>>) target(%arg5 : memref<6144xf32, #tpu.memory_space<vmem>>) target_semaphore(%arg10 : memref<!tpu.dma_semaphore, #tpu.memory_space<semaphore_mem>>)
        %mul3A_266 = arith.constant 1048576 : i32
        %mul3A_267 = arith.muli %select_n3A_250, %mul3A_266 : i32
        %add3A_268 = arith.addi %mul3A_267, %add3A_256 : i32
        %dma_start3A_269 = tpu.memref_slice %arg3[%add3A_268] : memref<2097152xi32, #tpu.memory_space<hbm>> -> memref<6144xi32, #tpu.memory_space<hbm>>
        %dma_start3A_270 = tpu.memref_slice %arg3[%add3A_268] : memref<2097152xi32, #tpu.memory_space<hbm>> -> memref<6144xi32, #tpu.memory_space<hbm>>
        tpu.enqueue_dma source(%dma_start3A_270 : memref<6144xi32, #tpu.memory_space<hbm>>) target(%arg7 : memref<6144xi32, #tpu.memory_space<vmem>>) target_semaphore(%arg12 : memref<!tpu.dma_semaphore, #tpu.memory_space<semaphore_mem>>)
      } else {
      }
      %dma_wait3A_143 = arith.constant 0 : i32
      %dma_wait3A_144 = tpu.memref_slice %arg2[%dma_wait3A_143] : memref<8388608xf32, #tpu.memory_space<hbm>> -> memref<6144xf32, #tpu.memory_space<hbm>>
      %dma_wait3A_145 = arith.constant 0 : i32
      %dma_wait3A_146 = tpu.memref_slice %arg2[%dma_wait3A_145] : memref<8388608xf32, #tpu.memory_space<hbm>> -> memref<6144xf32, #tpu.memory_space<hbm>>
      tpu.wait_dma2 semaphore(%arg11 : memref<!tpu.dma_semaphore, #tpu.memory_space<semaphore_mem>>) src(%dma_wait3A_146 : memref<6144xf32, #tpu.memory_space<hbm>>) dst(%arg6 : memref<6144xf32, #tpu.memory_space<vmem>>)
      %dma_wait3A_147 = arith.constant 0 : i32
      %dma_wait3A_148 = tpu.memref_slice %arg3[%dma_wait3A_147] : memref<2097152xi32, #tpu.memory_space<hbm>> -> memref<6144xi32, #tpu.memory_space<hbm>>
      %dma_wait3A_149 = arith.constant 0 : i32
      %dma_wait3A_150 = tpu.memref_slice %arg3[%dma_wait3A_149] : memref<2097152xi32, #tpu.memory_space<hbm>> -> memref<6144xi32, #tpu.memory_space<hbm>>
      tpu.wait_dma2 semaphore(%arg13 : memref<!tpu.dma_semaphore, #tpu.memory_space<semaphore_mem>>) src(%dma_wait3A_150 : memref<6144xi32, #tpu.memory_space<hbm>>) dst(%arg8 : memref<6144xi32, #tpu.memory_space<vmem>>)
      %scan3A_151 = arith.constant 0 : i32
      %scan3A_152 = arith.constant 384 : i32
      %scan3A_153 = arith.addi %scan3A_151, %scan3A_152 : i32
      %scan3A_154 = arith.constant 4 : i32
      %scan3A_155:3 = scf.for %scan3A_225 = %scan3A_151 to %scan3A_153 step %scan3A_154 iter_args(%scan3A_226 = %broadcast_in_dim3A_3, %scan3A_227 = %broadcast_in_dim3A_3, %scan3A_228 = %broadcast_in_dim3A_3) -> (vector<16xf32>, vector<16xf32>, vector<16xf32>)  : i32 {
        %mul3A_229 = arith.constant 16 : i32
        %mul3A_230 = arith.muli %scan3A_225, %mul3A_229 : i32
        %get3A_231 = arith.index_cast %mul3A_230 : i32 to index
        %get3A_232 = tpu.vector_load %arg6[%get3A_231] {strides = array<i32>} : memref<6144xf32, #tpu.memory_space<vmem>>, vector<16xf32>,
        %get3A_233 = vector.shape_cast %get3A_232 : vector<16xf32> to vector<16xf32>
        %mul3A_234 = arith.constant 16 : i32
        %mul3A_235 = arith.muli %scan3A_225, %mul3A_234 : i32
        %get3A_236 = arith.index_cast %mul3A_235 : i32 to index
        %get3A_237 = tpu.vector_load %arg8[%get3A_236] {strides = array<i32>} : memref<6144xi32, #tpu.memory_space<vmem>>, vector<16xi32>,
        %get3A_238 = vector.shape_cast %get3A_237 : vector<16xi32> to vector<16xi32>
        %eq3A = arith.constant 3 : i32
        %eq3A_239 = vector.broadcast %eq3A : i32 to vector<16xi32>
        %eq3A_240 = arith.cmpi eq, %get3A_238, %eq3A_239 : vector<16xi32>
        %add3A_241 = arith.addf %scan3A_226, %get3A_233 : vector<16xf32>
        %jit3A_242 = arith.constant 0.000000e+00 : f32
        %broadcast_in_dim3A_243 = vector.broadcast %jit3A_242 : f32 to vector<16xf32>
        %select_n3A_244 = arith.select %eq3A_240, %get3A_233, %broadcast_in_dim3A_243 : vector<16xi1>, vector<16xf32>
        %add3A_245 = arith.addf %scan3A_227, %select_n3A_244 : vector<16xf32>
        %jit3A_246 = arith.constant 1.000000e+00 : f32
        %jit3A_247 = arith.constant 0.000000e+00 : f32
        %broadcast_in_dim3A_248 = vector.broadcast %jit3A_246 : f32 to vector<16xf32>
        %broadcast_in_dim3A_249 = vector.broadcast %jit3A_247 : f32 to vector<16xf32>
        %select_n3A_250 = arith.select %eq3A_240, %broadcast_in_dim3A_248, %broadcast_in_dim3A_249 : vector<16xi1>, vector<16xf32>
        %add3A_251 = arith.addf %scan3A_228, %select_n3A_250 : vector<16xf32>
        %scan3A_252 = arith.constant 1 : i32
        %scan3A_253 = arith.addi %scan3A_225, %scan3A_252 : i32
        %mul3A_254 = arith.constant 16 : i32
        %mul3A_255 = arith.muli %scan3A_253, %mul3A_254 : i32
        %get3A_256 = arith.index_cast %mul3A_255 : i32 to index
        %get3A_257 = tpu.vector_load %arg6[%get3A_256] {strides = array<i32>} : memref<6144xf32, #tpu.memory_space<vmem>>, vector<16xf32>,
        %get3A_258 = vector.shape_cast %get3A_257 : vector<16xf32> to vector<16xf32>
        %mul3A_259 = arith.constant 16 : i32
        %mul3A_260 = arith.muli %scan3A_253, %mul3A_259 : i32
        %get3A_261 = arith.index_cast %mul3A_260 : i32 to index
        %get3A_262 = tpu.vector_load %arg8[%get3A_261] {strides = array<i32>} : memref<6144xi32, #tpu.memory_space<vmem>>, vector<16xi32>,
        %get3A_263 = vector.shape_cast %get3A_262 : vector<16xi32> to vector<16xi32>
        %eq3A_264 = arith.constant 3 : i32
        %eq3A_265 = vector.broadcast %eq3A_264 : i32 to vector<16xi32>
        %eq3A_266 = arith.cmpi eq, %get3A_263, %eq3A_265 : vector<16xi32>
        %add3A_267 = arith.addf %add3A_241, %get3A_258 : vector<16xf32>
        %jit3A_268 = arith.constant 0.000000e+00 : f32
        %broadcast_in_dim3A_269 = vector.broadcast %jit3A_268 : f32 to vector<16xf32>
        %select_n3A_270 = arith.select %eq3A_266, %get3A_258, %broadcast_in_dim3A_269 : vector<16xi1>, vector<16xf32>
        %add3A_271 = arith.addf %add3A_245, %select_n3A_270 : vector<16xf32>
        %jit3A_272 = arith.constant 1.000000e+00 : f32
        %jit3A_273 = arith.constant 0.000000e+00 : f32
        %broadcast_in_dim3A_274 = vector.broadcast %jit3A_272 : f32 to vector<16xf32>
        %broadcast_in_dim3A_275 = vector.broadcast %jit3A_273 : f32 to vector<16xf32>
        %select_n3A_276 = arith.select %eq3A_266, %broadcast_in_dim3A_274, %broadcast_in_dim3A_275 : vector<16xi1>, vector<16xf32>
        %add3A_277 = arith.addf %add3A_251, %select_n3A_276 : vector<16xf32>
        %scan3A_278 = arith.constant 2 : i32
        %scan3A_279 = arith.addi %scan3A_225, %scan3A_278 : i32
        %mul3A_280 = arith.constant 16 : i32
        %mul3A_281 = arith.muli %scan3A_279, %mul3A_280 : i32
        %get3A_282 = arith.index_cast %mul3A_281 : i32 to index
        %get3A_283 = tpu.vector_load %arg6[%get3A_282] {strides = array<i32>} : memref<6144xf32, #tpu.memory_space<vmem>>, vector<16xf32>,
        %get3A_284 = vector.shape_cast %get3A_283 : vector<16xf32> to vector<16xf32>
        %mul3A_285 = arith.constant 16 : i32
        %mul3A_286 = arith.muli %scan3A_279, %mul3A_285 : i32
        %get3A_287 = arith.index_cast %mul3A_286 : i32 to index
        %get3A_288 = tpu.vector_load %arg8[%get3A_287] {strides = array<i32>} : memref<6144xi32, #tpu.memory_space<vmem>>, vector<16xi32>,
        %get3A_289 = vector.shape_cast %get3A_288 : vector<16xi32> to vector<16xi32>
        %eq3A_290 = arith.constant 3 : i32
        %eq3A_291 = vector.broadcast %eq3A_290 : i32 to vector<16xi32>
        %eq3A_292 = arith.cmpi eq, %get3A_289, %eq3A_291 : vector<16xi32>
        %add3A_293 = arith.addf %add3A_267, %get3A_284 : vector<16xf32>
        %jit3A_294 = arith.constant 0.000000e+00 : f32
        %broadcast_in_dim3A_295 = vector.broadcast %jit3A_294 : f32 to vector<16xf32>
        %select_n3A_296 = arith.select %eq3A_292, %get3A_284, %broadcast_in_dim3A_295 : vector<16xi1>, vector<16xf32>
        %add3A_297 = arith.addf %add3A_271, %select_n3A_296 : vector<16xf32>
        %jit3A_298 = arith.constant 1.000000e+00 : f32
        %jit3A_299 = arith.constant 0.000000e+00 : f32
        %broadcast_in_dim3A_300 = vector.broadcast %jit3A_298 : f32 to vector<16xf32>
        %broadcast_in_dim3A_301 = vector.broadcast %jit3A_299 : f32 to vector<16xf32>
        %select_n3A_302 = arith.select %eq3A_292, %broadcast_in_dim3A_300, %broadcast_in_dim3A_301 : vector<16xi1>, vector<16xf32>
        %add3A_303 = arith.addf %add3A_277, %select_n3A_302 : vector<16xf32>
        %scan3A_304 = arith.constant 3 : i32
        %scan3A_305 = arith.addi %scan3A_225, %scan3A_304 : i32
        %mul3A_306 = arith.constant 16 : i32
        %mul3A_307 = arith.muli %scan3A_305, %mul3A_306 : i32
        %get3A_308 = arith.index_cast %mul3A_307 : i32 to index
        %get3A_309 = tpu.vector_load %arg6[%get3A_308] {strides = array<i32>} : memref<6144xf32, #tpu.memory_space<vmem>>, vector<16xf32>,
        %get3A_310 = vector.shape_cast %get3A_309 : vector<16xf32> to vector<16xf32>
        %mul3A_311 = arith.constant 16 : i32
        %mul3A_312 = arith.muli %scan3A_305, %mul3A_311 : i32
        %get3A_313 = arith.index_cast %mul3A_312 : i32 to index
        %get3A_314 = tpu.vector_load %arg8[%get3A_313] {strides = array<i32>} : memref<6144xi32, #tpu.memory_space<vmem>>, vector<16xi32>,
        %get3A_315 = vector.shape_cast %get3A_314 : vector<16xi32> to vector<16xi32>
        %eq3A_316 = arith.constant 3 : i32
        %eq3A_317 = vector.broadcast %eq3A_316 : i32 to vector<16xi32>
        %eq3A_318 = arith.cmpi eq, %get3A_315, %eq3A_317 : vector<16xi32>
        %add3A_319 = arith.addf %add3A_293, %get3A_310 : vector<16xf32>
        %jit3A_320 = arith.constant 0.000000e+00 : f32
        %broadcast_in_dim3A_321 = vector.broadcast %jit3A_320 : f32 to vector<16xf32>
        %select_n3A_322 = arith.select %eq3A_318, %get3A_310, %broadcast_in_dim3A_321 : vector<16xi1>, vector<16xf32>
        %add3A_323 = arith.addf %add3A_297, %select_n3A_322 : vector<16xf32>
        %jit3A_324 = arith.constant 1.000000e+00 : f32
        %jit3A_325 = arith.constant 0.000000e+00 : f32
        %broadcast_in_dim3A_326 = vector.broadcast %jit3A_324 : f32 to vector<16xf32>
        %broadcast_in_dim3A_327 = vector.broadcast %jit3A_325 : f32 to vector<16xf32>
        %select_n3A_328 = arith.select %eq3A_318, %broadcast_in_dim3A_326, %broadcast_in_dim3A_327 : vector<16xi1>, vector<16xf32>
        %add3A_329 = arith.addf %add3A_303, %select_n3A_328 : vector<16xf32>
        scf.yield %add3A_319, %add3A_323, %add3A_329 : vector<16xf32>, vector<16xf32>, vector<16xf32>
      }
      %scan3A_156 = arith.constant 384 : i32
      %jit3A_157 = arith.constant 2 : i32
      %div3A_158 = arith.divsi %add3A_74, %jit3A_157 : i32
      %sign3A_159 = arith.constant 0 : i32
      %sign3A_160 = arith.cmpi sgt, %add3A_74, %sign3A_159 : i32
      %sign3A_161 = arith.extui %sign3A_160 : i1 to i32
      %sign3A_162 = arith.constant 0 : i32
      %sign3A_163 = arith.cmpi slt, %add3A_74, %sign3A_162 : i32
      %sign3A_164 = arith.extui %sign3A_163 : i1 to i32
      %sign3A_165 = arith.subi %sign3A_161, %sign3A_164 : i32
      %sign3A_166 = arith.constant 0 : i32
      %sign3A_167 = arith.cmpi sgt, %jit3A_157, %sign3A_166 : i32
      %sign3A_168 = arith.extui %sign3A_167 : i1 to i32
      %sign3A_169 = arith.constant 0 : i32
      %sign3A_170 = arith.cmpi slt, %jit3A_157, %sign3A_169 : i32
      %sign3A_171 = arith.extui %sign3A_170 : i1 to i32
      %sign3A_172 = arith.subi %sign3A_168, %sign3A_171 : i32
      %ne3A_173 = arith.cmpi ne, %sign3A_165, %sign3A_172 : i32
      %rem3A_174 = arith.remsi %add3A_74, %jit3A_157 : i32
      %ne3A_175 = arith.constant 0 : i32
      %ne3A_176 = arith.cmpi ne, %rem3A_174, %ne3A_175 : i32
      %and3A_177 = arith.andi %ne3A_173, %ne3A_176 : i1
      %sub3A_178 = arith.constant 1 : i32
      %sub3A_179 = arith.subi %div3A_158, %sub3A_178 : i32
      %select_n3A_180 = arith.select %and3A_177, %sub3A_179, %div3A_158 : i32
      %mul3A_181 = arith.constant 3 : i32
      %mul3A_182 = arith.muli %select_n3A_180, %mul3A_181 : i32
      %mul3A_183 = arith.constant 16 : i32
      %mul3A_184 = arith.muli %mul3A_182, %mul3A_183 : i32
      %get3A_185 = arith.index_cast %mul3A_184 : i32 to index
      %get3A_186 = tpu.vector_load %arg9[%get3A_185] {strides = array<i32>} : memref<96xf32, #tpu.memory_space<vmem>>, vector<16xf32>,
      %get3A_187 = vector.shape_cast %get3A_186 : vector<16xf32> to vector<16xf32>
      %add3A_188 = arith.addf %get3A_187, %scan3A_155#0 : vector<16xf32>
      %swap3A_189 = arith.index_cast %mul3A_184 : i32 to index
      %swap3A_190 = tpu.vector_load %arg9[%swap3A_189] {strides = array<i32>} : memref<96xf32, #tpu.memory_space<vmem>>, vector<16xf32>,
      %swap3A_191 = vector.shape_cast %swap3A_190 : vector<16xf32> to vector<16xf32>
      %swap3A_192 = vector.shape_cast %add3A_188 : vector<16xf32> to vector<16xf32>
      tpu.vector_store %arg9[%swap3A_189], %swap3A_192 {strides = array<i32>} : memref<96xf32, #tpu.memory_space<vmem>>, vector<16xf32>,
      %add3A_193 = arith.constant 16 : i32
      %add3A_194 = arith.addi %mul3A_184, %add3A_193 : i32
      %get3A_195 = arith.index_cast %add3A_194 : i32 to index
      %get3A_196 = tpu.vector_load %arg9[%get3A_195] {strides = array<i32>} : memref<96xf32, #tpu.memory_space<vmem>>, vector<16xf32>,
      %get3A_197 = vector.shape_cast %get3A_196 : vector<16xf32> to vector<16xf32>
      %add3A_198 = arith.addf %get3A_197, %scan3A_155#1 : vector<16xf32>
      %add3A_199 = arith.constant 16 : i32
      %add3A_200 = arith.addi %mul3A_184, %add3A_199 : i32
      %swap3A_201 = arith.index_cast %add3A_200 : i32 to index
      %swap3A_202 = tpu.vector_load %arg9[%swap3A_201] {strides = array<i32>} : memref<96xf32, #tpu.memory_space<vmem>>, vector<16xf32>,
      %swap3A_203 = vector.shape_cast %swap3A_202 : vector<16xf32> to vector<16xf32>
      %swap3A_204 = vector.shape_cast %add3A_198 : vector<16xf32> to vector<16xf32>
      tpu.vector_store %arg9[%swap3A_201], %swap3A_204 {strides = array<i32>} : memref<96xf32, #tpu.memory_space<vmem>>, vector<16xf32>,
      %add3A_205 = arith.constant 32 : i32
      %add3A_206 = arith.addi %mul3A_184, %add3A_205 : i32
      %get3A_207 = arith.index_cast %add3A_206 : i32 to index
      %get3A_208 = tpu.vector_load %arg9[%get3A_207] {strides = array<i32>} : memref<96xf32, #tpu.memory_space<vmem>>, vector<16xf32>,
      %get3A_209 = vector.shape_cast %get3A_208 : vector<16xf32> to vector<16xf32>
      %add3A_210 = arith.addf %get3A_209, %scan3A_155#2 : vector<16xf32>
      %add3A_211 = arith.constant 32 : i32
      %add3A_212 = arith.addi %mul3A_184, %add3A_211 : i32
      %swap3A_213 = arith.index_cast %add3A_212 : i32 to index
      %swap3A_214 = tpu.vector_load %arg9[%swap3A_213] {strides = array<i32>} : memref<96xf32, #tpu.memory_space<vmem>>, vector<16xf32>,
      %swap3A_215 = vector.shape_cast %swap3A_214 : vector<16xf32> to vector<16xf32>
      %swap3A_216 = vector.shape_cast %add3A_210 : vector<16xf32> to vector<16xf32>
      tpu.vector_store %arg9[%swap3A_213], %swap3A_216 {strides = array<i32>} : memref<96xf32, #tpu.memory_space<vmem>>, vector<16xf32>,
      %add3A_217 = arith.constant 2 : i32
      %add3A_218 = arith.addi %add3A_74, %add3A_217 : i32
      %lt3A_219 = arith.constant 4 : i32
      %lt3A_220 = arith.cmpi slt, %add3A_218, %lt3A_219 : i32
      %convert_element_type3A_221 = arith.extui %lt3A_220 : i1 to i32
      %cond3A_222 = arith.constant 0 : i32
      %cond3A_223 = arith.cmpi ne, %convert_element_type3A_221, %cond3A_222 : i32
      scf.if %cond3A_223 {
        %add3A_225 = arith.constant 2 : i32
        %add3A_226 = arith.addi %add3A_74, %add3A_225 : i32
        %jit3A_227 = arith.constant 2 : i32
        %div3A_228 = arith.divsi %add3A_226, %jit3A_227 : i32
        %sign3A_229 = arith.constant 0 : i32
        %sign3A_230 = arith.cmpi sgt, %add3A_226, %sign3A_229 : i32
        %sign3A_231 = arith.extui %sign3A_230 : i1 to i32
        %sign3A_232 = arith.constant 0 : i32
        %sign3A_233 = arith.cmpi slt, %add3A_226, %sign3A_232 : i32
        %sign3A_234 = arith.extui %sign3A_233 : i1 to i32
        %sign3A_235 = arith.subi %sign3A_231, %sign3A_234 : i32
        %sign3A_236 = arith.constant 0 : i32
        %sign3A_237 = arith.cmpi sgt, %jit3A_227, %sign3A_236 : i32
        %sign3A_238 = arith.extui %sign3A_237 : i1 to i32
        %sign3A_239 = arith.constant 0 : i32
        %sign3A_240 = arith.cmpi slt, %jit3A_227, %sign3A_239 : i32
        %sign3A_241 = arith.extui %sign3A_240 : i1 to i32
        %sign3A_242 = arith.subi %sign3A_238, %sign3A_241 : i32
        %ne3A_243 = arith.cmpi ne, %sign3A_235, %sign3A_242 : i32
        %rem3A_244 = arith.remsi %add3A_226, %jit3A_227 : i32
        %ne3A_245 = arith.constant 0 : i32
        %ne3A_246 = arith.cmpi ne, %rem3A_244, %ne3A_245 : i32
        %and3A_247 = arith.andi %ne3A_243, %ne3A_246 : i1
        %sub3A_248 = arith.constant 1 : i32
        %sub3A_249 = arith.subi %div3A_228, %sub3A_248 : i32
        %select_n3A_250 = arith.select %and3A_247, %sub3A_249, %div3A_228 : i32
        %mul3A_251 = arith.constant 2 : i32
        %mul3A_252 = arith.muli %select_n3A_250, %mul3A_251 : i32
        %sub3A_253 = arith.subi %add3A_226, %mul3A_252 : i32
        %mul3A_254 = arith.constant 6144 : i32
        %mul3A_255 = arith.muli %sub3A_253, %mul3A_254 : i32
        %add3A_256 = arith.addi %mul3A_2, %mul3A_255 : i32
        %mul3A_257 = arith.constant 4 : i32
        %mul3A_258 = arith.muli %select_n3A_250, %mul3A_257 : i32
        %add3A_259 = arith.constant 3 : i32
        %add3A_260 = arith.addi %mul3A_258, %add3A_259 : i32
        %mul3A_261 = arith.constant 1048576 : i32
        %mul3A_262 = arith.muli %add3A_260, %mul3A_261 : i32
        %add3A_263 = arith.addi %mul3A_262, %add3A_256 : i32
        %dma_start3A_264 = tpu.memref_slice %arg2[%add3A_263] : memref<8388608xf32, #tpu.memory_space<hbm>> -> memref<6144xf32, #tpu.memory_space<hbm>>
        %dma_start3A_265 = tpu.memref_slice %arg2[%add3A_263] : memref<8388608xf32, #tpu.memory_space<hbm>> -> memref<6144xf32, #tpu.memory_space<hbm>>
        tpu.enqueue_dma source(%dma_start3A_265 : memref<6144xf32, #tpu.memory_space<hbm>>) target(%arg6 : memref<6144xf32, #tpu.memory_space<vmem>>) target_semaphore(%arg11 : memref<!tpu.dma_semaphore, #tpu.memory_space<semaphore_mem>>)
        %mul3A_266 = arith.constant 1048576 : i32
        %mul3A_267 = arith.muli %select_n3A_250, %mul3A_266 : i32
        %add3A_268 = arith.addi %mul3A_267, %add3A_256 : i32
        %dma_start3A_269 = tpu.memref_slice %arg3[%add3A_268] : memref<2097152xi32, #tpu.memory_space<hbm>> -> memref<6144xi32, #tpu.memory_space<hbm>>
        %dma_start3A_270 = tpu.memref_slice %arg3[%add3A_268] : memref<2097152xi32, #tpu.memory_space<hbm>> -> memref<6144xi32, #tpu.memory_space<hbm>>
        tpu.enqueue_dma source(%dma_start3A_270 : memref<6144xi32, #tpu.memory_space<hbm>>) target(%arg8 : memref<6144xi32, #tpu.memory_space<vmem>>) target_semaphore(%arg13 : memref<!tpu.dma_semaphore, #tpu.memory_space<semaphore_mem>>)
      } else {
      }
      %scan3A_224 = arith.constant 0 : i32
      scf.yield %scan3A_224 : i32
    }
    %scan3A_51 = arith.constant 2 : i32
    %mul3A_52 = arith.constant 16 : i32
    %mul3A_53 = arith.muli %add3A, %mul3A_52 : i32
    %run_scoped3A = arith.constant 0 : i32
    "tpu.region"() ({
      %run_scoped3A_69 = tpu.sem_alloc : memref<!tpu.dma_semaphore, #tpu.memory_space<semaphore_mem>>
      %dma_start3A_70 = arith.constant 0 : i32
      %dma_start3A_71 = tpu.memref_slice %arg9[%dma_start3A_70] : memref<96xf32, #tpu.memory_space<vmem>> -> memref<16xf32, #tpu.memory_space<vmem>>
      %dma_start3A_72 = tpu.memref_slice %arg4[%run_scoped3A, %mul3A_53] : memref<6x512xf32, #tpu.memory_space<hbm>> -> memref<1x16xf32, #tpu.memory_space<hbm>>
      %dma_start3A_73 = tpu.memref_squeeze %dma_start3A_72 : memref<1x16xf32, #tpu.memory_space<hbm>> -> memref<16xf32, #tpu.memory_space<hbm>>
      %dma_start3A_74 = tpu.memref_slice %arg4[%run_scoped3A, %mul3A_53] : memref<6x512xf32, #tpu.memory_space<hbm>> -> memref<1x16xf32, #tpu.memory_space<hbm>>
      %dma_start3A_75 = tpu.memref_squeeze %dma_start3A_74 : memref<1x16xf32, #tpu.memory_space<hbm>> -> memref<16xf32, #tpu.memory_space<hbm>>
      %dma_start3A_76 = arith.constant 0 : i32
      %dma_start3A_77 = tpu.memref_slice %arg9[%dma_start3A_76] : memref<96xf32, #tpu.memory_space<vmem>> -> memref<16xf32, #tpu.memory_space<vmem>>
      tpu.enqueue_dma source(%dma_start3A_77 : memref<16xf32, #tpu.memory_space<vmem>>) target(%dma_start3A_75 : memref<16xf32, #tpu.memory_space<hbm>>) target_semaphore(%run_scoped3A_69 : memref<!tpu.dma_semaphore, #tpu.memory_space<semaphore_mem>>)
      %dma_wait3A = arith.constant 0 : i32
      %dma_wait3A_78 = tpu.memref_slice %arg9[%dma_wait3A] : memref<96xf32, #tpu.memory_space<vmem>> -> memref<16xf32, #tpu.memory_space<vmem>>
      %dma_wait3A_79 = tpu.memref_slice %arg4[%run_scoped3A, %mul3A_53] : memref<6x512xf32, #tpu.memory_space<hbm>> -> memref<1x16xf32, #tpu.memory_space<hbm>>
      %dma_wait3A_80 = tpu.memref_squeeze %dma_wait3A_79 : memref<1x16xf32, #tpu.memory_space<hbm>> -> memref<16xf32, #tpu.memory_space<hbm>>
      %dma_wait3A_81 = tpu.memref_slice %arg4[%run_scoped3A, %mul3A_53] : memref<6x512xf32, #tpu.memory_space<hbm>> -> memref<1x16xf32, #tpu.memory_space<hbm>>
      %dma_wait3A_82 = tpu.memref_squeeze %dma_wait3A_81 : memref<1x16xf32, #tpu.memory_space<hbm>> -> memref<16xf32, #tpu.memory_space<hbm>>
      %dma_wait3A_83 = arith.constant 0 : i32
      %dma_wait3A_84 = tpu.memref_slice %arg9[%dma_wait3A_83] : memref<96xf32, #tpu.memory_space<vmem>> -> memref<16xf32, #tpu.memory_space<vmem>>
      tpu.wait_dma2 semaphore(%run_scoped3A_69 : memref<!tpu.dma_semaphore, #tpu.memory_space<semaphore_mem>>) src(%dma_wait3A_84 : memref<16xf32, #tpu.memory_space<vmem>>) dst(%dma_wait3A_82 : memref<16xf32, #tpu.memory_space<hbm>>)
      tpu.yield
    }) : () -> ()
    %mul3A_54 = arith.constant 16 : i32
    %mul3A_55 = arith.muli %add3A, %mul3A_54 : i32
    %run_scoped3A_56 = arith.constant 1 : i32
    "tpu.region"() ({
      %run_scoped3A_69 = tpu.sem_alloc : memref<!tpu.dma_semaphore, #tpu.memory_space<semaphore_mem>>
      %dma_start3A_70 = arith.constant 16 : i32
      %dma_start3A_71 = tpu.memref_slice %arg9[%dma_start3A_70] : memref<96xf32, #tpu.memory_space<vmem>> -> memref<16xf32, #tpu.memory_space<vmem>>
      %dma_start3A_72 = tpu.memref_slice %arg4[%run_scoped3A_56, %mul3A_55] : memref<6x512xf32, #tpu.memory_space<hbm>> -> memref<1x16xf32, #tpu.memory_space<hbm>>
      %dma_start3A_73 = tpu.memref_squeeze %dma_start3A_72 : memref<1x16xf32, #tpu.memory_space<hbm>> -> memref<16xf32, #tpu.memory_space<hbm>>
      %dma_start3A_74 = tpu.memref_slice %arg4[%run_scoped3A_56, %mul3A_55] : memref<6x512xf32, #tpu.memory_space<hbm>> -> memref<1x16xf32, #tpu.memory_space<hbm>>
      %dma_start3A_75 = tpu.memref_squeeze %dma_start3A_74 : memref<1x16xf32, #tpu.memory_space<hbm>> -> memref<16xf32, #tpu.memory_space<hbm>>
      %dma_start3A_76 = arith.constant 16 : i32
      %dma_start3A_77 = tpu.memref_slice %arg9[%dma_start3A_76] : memref<96xf32, #tpu.memory_space<vmem>> -> memref<16xf32, #tpu.memory_space<vmem>>
      tpu.enqueue_dma source(%dma_start3A_77 : memref<16xf32, #tpu.memory_space<vmem>>) target(%dma_start3A_75 : memref<16xf32, #tpu.memory_space<hbm>>) target_semaphore(%run_scoped3A_69 : memref<!tpu.dma_semaphore, #tpu.memory_space<semaphore_mem>>)
      %dma_wait3A = arith.constant 16 : i32
      %dma_wait3A_78 = tpu.memref_slice %arg9[%dma_wait3A] : memref<96xf32, #tpu.memory_space<vmem>> -> memref<16xf32, #tpu.memory_space<vmem>>
      %dma_wait3A_79 = tpu.memref_slice %arg4[%run_scoped3A_56, %mul3A_55] : memref<6x512xf32, #tpu.memory_space<hbm>> -> memref<1x16xf32, #tpu.memory_space<hbm>>
      %dma_wait3A_80 = tpu.memref_squeeze %dma_wait3A_79 : memref<1x16xf32, #tpu.memory_space<hbm>> -> memref<16xf32, #tpu.memory_space<hbm>>
      %dma_wait3A_81 = tpu.memref_slice %arg4[%run_scoped3A_56, %mul3A_55] : memref<6x512xf32, #tpu.memory_space<hbm>> -> memref<1x16xf32, #tpu.memory_space<hbm>>
      %dma_wait3A_82 = tpu.memref_squeeze %dma_wait3A_81 : memref<1x16xf32, #tpu.memory_space<hbm>> -> memref<16xf32, #tpu.memory_space<hbm>>
      %dma_wait3A_83 = arith.constant 16 : i32
      %dma_wait3A_84 = tpu.memref_slice %arg9[%dma_wait3A_83] : memref<96xf32, #tpu.memory_space<vmem>> -> memref<16xf32, #tpu.memory_space<vmem>>
      tpu.wait_dma2 semaphore(%run_scoped3A_69 : memref<!tpu.dma_semaphore, #tpu.memory_space<semaphore_mem>>) src(%dma_wait3A_84 : memref<16xf32, #tpu.memory_space<vmem>>) dst(%dma_wait3A_82 : memref<16xf32, #tpu.memory_space<hbm>>)
      tpu.yield
    }) : () -> ()
    %mul3A_57 = arith.constant 16 : i32
    %mul3A_58 = arith.muli %add3A, %mul3A_57 : i32
    %run_scoped3A_59 = arith.constant 2 : i32
    "tpu.region"() ({
      %run_scoped3A_69 = tpu.sem_alloc : memref<!tpu.dma_semaphore, #tpu.memory_space<semaphore_mem>>
      %dma_start3A_70 = arith.constant 32 : i32
      %dma_start3A_71 = tpu.memref_slice %arg9[%dma_start3A_70] : memref<96xf32, #tpu.memory_space<vmem>> -> memref<16xf32, #tpu.memory_space<vmem>>
      %dma_start3A_72 = tpu.memref_slice %arg4[%run_scoped3A_59, %mul3A_58] : memref<6x512xf32, #tpu.memory_space<hbm>> -> memref<1x16xf32, #tpu.memory_space<hbm>>
      %dma_start3A_73 = tpu.memref_squeeze %dma_start3A_72 : memref<1x16xf32, #tpu.memory_space<hbm>> -> memref<16xf32, #tpu.memory_space<hbm>>
      %dma_start3A_74 = tpu.memref_slice %arg4[%run_scoped3A_59, %mul3A_58] : memref<6x512xf32, #tpu.memory_space<hbm>> -> memref<1x16xf32, #tpu.memory_space<hbm>>
      %dma_start3A_75 = tpu.memref_squeeze %dma_start3A_74 : memref<1x16xf32, #tpu.memory_space<hbm>> -> memref<16xf32, #tpu.memory_space<hbm>>
      %dma_start3A_76 = arith.constant 32 : i32
      %dma_start3A_77 = tpu.memref_slice %arg9[%dma_start3A_76] : memref<96xf32, #tpu.memory_space<vmem>> -> memref<16xf32, #tpu.memory_space<vmem>>
      tpu.enqueue_dma source(%dma_start3A_77 : memref<16xf32, #tpu.memory_space<vmem>>) target(%dma_start3A_75 : memref<16xf32, #tpu.memory_space<hbm>>) target_semaphore(%run_scoped3A_69 : memref<!tpu.dma_semaphore, #tpu.memory_space<semaphore_mem>>)
      %dma_wait3A = arith.constant 32 : i32
      %dma_wait3A_78 = tpu.memref_slice %arg9[%dma_wait3A] : memref<96xf32, #tpu.memory_space<vmem>> -> memref<16xf32, #tpu.memory_space<vmem>>
      %dma_wait3A_79 = tpu.memref_slice %arg4[%run_scoped3A_59, %mul3A_58] : memref<6x512xf32, #tpu.memory_space<hbm>> -> memref<1x16xf32, #tpu.memory_space<hbm>>
      %dma_wait3A_80 = tpu.memref_squeeze %dma_wait3A_79 : memref<1x16xf32, #tpu.memory_space<hbm>> -> memref<16xf32, #tpu.memory_space<hbm>>
      %dma_wait3A_81 = tpu.memref_slice %arg4[%run_scoped3A_59, %mul3A_58] : memref<6x512xf32, #tpu.memory_space<hbm>> -> memref<1x16xf32, #tpu.memory_space<hbm>>
      %dma_wait3A_82 = tpu.memref_squeeze %dma_wait3A_81 : memref<1x16xf32, #tpu.memory_space<hbm>> -> memref<16xf32, #tpu.memory_space<hbm>>
      %dma_wait3A_83 = arith.constant 32 : i32
      %dma_wait3A_84 = tpu.memref_slice %arg9[%dma_wait3A_83] : memref<96xf32, #tpu.memory_space<vmem>> -> memref<16xf32, #tpu.memory_space<vmem>>
      tpu.wait_dma2 semaphore(%run_scoped3A_69 : memref<!tpu.dma_semaphore, #tpu.memory_space<semaphore_mem>>) src(%dma_wait3A_84 : memref<16xf32, #tpu.memory_space<vmem>>) dst(%dma_wait3A_82 : memref<16xf32, #tpu.memory_space<hbm>>)
      tpu.yield
    }) : () -> ()
    %mul3A_60 = arith.constant 16 : i32
    %mul3A_61 = arith.muli %add3A, %mul3A_60 : i32
    %run_scoped3A_62 = arith.constant 3 : i32
    "tpu.region"() ({
      %run_scoped3A_69 = tpu.sem_alloc : memref<!tpu.dma_semaphore, #tpu.memory_space<semaphore_mem>>
      %dma_start3A_70 = arith.constant 48 : i32
      %dma_start3A_71 = tpu.memref_slice %arg9[%dma_start3A_70] : memref<96xf32, #tpu.memory_space<vmem>> -> memref<16xf32, #tpu.memory_space<vmem>>
      %dma_start3A_72 = tpu.memref_slice %arg4[%run_scoped3A_62, %mul3A_61] : memref<6x512xf32, #tpu.memory_space<hbm>> -> memref<1x16xf32, #tpu.memory_space<hbm>>
      %dma_start3A_73 = tpu.memref_squeeze %dma_start3A_72 : memref<1x16xf32, #tpu.memory_space<hbm>> -> memref<16xf32, #tpu.memory_space<hbm>>
      %dma_start3A_74 = tpu.memref_slice %arg4[%run_scoped3A_62, %mul3A_61] : memref<6x512xf32, #tpu.memory_space<hbm>> -> memref<1x16xf32, #tpu.memory_space<hbm>>
      %dma_start3A_75 = tpu.memref_squeeze %dma_start3A_74 : memref<1x16xf32, #tpu.memory_space<hbm>> -> memref<16xf32, #tpu.memory_space<hbm>>
      %dma_start3A_76 = arith.constant 48 : i32
      %dma_start3A_77 = tpu.memref_slice %arg9[%dma_start3A_76] : memref<96xf32, #tpu.memory_space<vmem>> -> memref<16xf32, #tpu.memory_space<vmem>>
      tpu.enqueue_dma source(%dma_start3A_77 : memref<16xf32, #tpu.memory_space<vmem>>) target(%dma_start3A_75 : memref<16xf32, #tpu.memory_space<hbm>>) target_semaphore(%run_scoped3A_69 : memref<!tpu.dma_semaphore, #tpu.memory_space<semaphore_mem>>)
      %dma_wait3A = arith.constant 48 : i32
      %dma_wait3A_78 = tpu.memref_slice %arg9[%dma_wait3A] : memref<96xf32, #tpu.memory_space<vmem>> -> memref<16xf32, #tpu.memory_space<vmem>>
      %dma_wait3A_79 = tpu.memref_slice %arg4[%run_scoped3A_62, %mul3A_61] : memref<6x512xf32, #tpu.memory_space<hbm>> -> memref<1x16xf32, #tpu.memory_space<hbm>>
      %dma_wait3A_80 = tpu.memref_squeeze %dma_wait3A_79 : memref<1x16xf32, #tpu.memory_space<hbm>> -> memref<16xf32, #tpu.memory_space<hbm>>
      %dma_wait3A_81 = tpu.memref_slice %arg4[%run_scoped3A_62, %mul3A_61] : memref<6x512xf32, #tpu.memory_space<hbm>> -> memref<1x16xf32, #tpu.memory_space<hbm>>
      %dma_wait3A_82 = tpu.memref_squeeze %dma_wait3A_81 : memref<1x16xf32, #tpu.memory_space<hbm>> -> memref<16xf32, #tpu.memory_space<hbm>>
      %dma_wait3A_83 = arith.constant 48 : i32
      %dma_wait3A_84 = tpu.memref_slice %arg9[%dma_wait3A_83] : memref<96xf32, #tpu.memory_space<vmem>> -> memref<16xf32, #tpu.memory_space<vmem>>
      tpu.wait_dma2 semaphore(%run_scoped3A_69 : memref<!tpu.dma_semaphore, #tpu.memory_space<semaphore_mem>>) src(%dma_wait3A_84 : memref<16xf32, #tpu.memory_space<vmem>>) dst(%dma_wait3A_82 : memref<16xf32, #tpu.memory_space<hbm>>)
      tpu.yield
    }) : () -> ()
    %mul3A_63 = arith.constant 16 : i32
    %mul3A_64 = arith.muli %add3A, %mul3A_63 : i32
    %run_scoped3A_65 = arith.constant 4 : i32
    "tpu.region"() ({
      %run_scoped3A_69 = tpu.sem_alloc : memref<!tpu.dma_semaphore, #tpu.memory_space<semaphore_mem>>
      %dma_start3A_70 = arith.constant 64 : i32
      %dma_start3A_71 = tpu.memref_slice %arg9[%dma_start3A_70] : memref<96xf32, #tpu.memory_space<vmem>> -> memref<16xf32, #tpu.memory_space<vmem>>
      %dma_start3A_72 = tpu.memref_slice %arg4[%run_scoped3A_65, %mul3A_64] : memref<6x512xf32, #tpu.memory_space<hbm>> -> memref<1x16xf32, #tpu.memory_space<hbm>>
      %dma_start3A_73 = tpu.memref_squeeze %dma_start3A_72 : memref<1x16xf32, #tpu.memory_space<hbm>> -> memref<16xf32, #tpu.memory_space<hbm>>
      %dma_start3A_74 = tpu.memref_slice %arg4[%run_scoped3A_65, %mul3A_64] : memref<6x512xf32, #tpu.memory_space<hbm>> -> memref<1x16xf32, #tpu.memory_space<hbm>>
      %dma_start3A_75 = tpu.memref_squeeze %dma_start3A_74 : memref<1x16xf32, #tpu.memory_space<hbm>> -> memref<16xf32, #tpu.memory_space<hbm>>
      %dma_start3A_76 = arith.constant 64 : i32
      %dma_start3A_77 = tpu.memref_slice %arg9[%dma_start3A_76] : memref<96xf32, #tpu.memory_space<vmem>> -> memref<16xf32, #tpu.memory_space<vmem>>
      tpu.enqueue_dma source(%dma_start3A_77 : memref<16xf32, #tpu.memory_space<vmem>>) target(%dma_start3A_75 : memref<16xf32, #tpu.memory_space<hbm>>) target_semaphore(%run_scoped3A_69 : memref<!tpu.dma_semaphore, #tpu.memory_space<semaphore_mem>>)
      %dma_wait3A = arith.constant 64 : i32
      %dma_wait3A_78 = tpu.memref_slice %arg9[%dma_wait3A] : memref<96xf32, #tpu.memory_space<vmem>> -> memref<16xf32, #tpu.memory_space<vmem>>
      %dma_wait3A_79 = tpu.memref_slice %arg4[%run_scoped3A_65, %mul3A_64] : memref<6x512xf32, #tpu.memory_space<hbm>> -> memref<1x16xf32, #tpu.memory_space<hbm>>
      %dma_wait3A_80 = tpu.memref_squeeze %dma_wait3A_79 : memref<1x16xf32, #tpu.memory_space<hbm>> -> memref<16xf32, #tpu.memory_space<hbm>>
      %dma_wait3A_81 = tpu.memref_slice %arg4[%run_scoped3A_65, %mul3A_64] : memref<6x512xf32, #tpu.memory_space<hbm>> -> memref<1x16xf32, #tpu.memory_space<hbm>>
      %dma_wait3A_82 = tpu.memref_squeeze %dma_wait3A_81 : memref<1x16xf32, #tpu.memory_space<hbm>> -> memref<16xf32, #tpu.memory_space<hbm>>
      %dma_wait3A_83 = arith.constant 64 : i32
      %dma_wait3A_84 = tpu.memref_slice %arg9[%dma_wait3A_83] : memref<96xf32, #tpu.memory_space<vmem>> -> memref<16xf32, #tpu.memory_space<vmem>>
      tpu.wait_dma2 semaphore(%run_scoped3A_69 : memref<!tpu.dma_semaphore, #tpu.memory_space<semaphore_mem>>) src(%dma_wait3A_84 : memref<16xf32, #tpu.memory_space<vmem>>) dst(%dma_wait3A_82 : memref<16xf32, #tpu.memory_space<hbm>>)
      tpu.yield
    }) : () -> ()
    %mul3A_66 = arith.constant 16 : i32
    %mul3A_67 = arith.muli %add3A, %mul3A_66 : i32
    %run_scoped3A_68 = arith.constant 5 : i32
    "tpu.region"() ({
      %run_scoped3A_69 = tpu.sem_alloc : memref<!tpu.dma_semaphore, #tpu.memory_space<semaphore_mem>>
      %dma_start3A_70 = arith.constant 80 : i32
      %dma_start3A_71 = tpu.memref_slice %arg9[%dma_start3A_70] : memref<96xf32, #tpu.memory_space<vmem>> -> memref<16xf32, #tpu.memory_space<vmem>>
      %dma_start3A_72 = tpu.memref_slice %arg4[%run_scoped3A_68, %mul3A_67] : memref<6x512xf32, #tpu.memory_space<hbm>> -> memref<1x16xf32, #tpu.memory_space<hbm>>
      %dma_start3A_73 = tpu.memref_squeeze %dma_start3A_72 : memref<1x16xf32, #tpu.memory_space<hbm>> -> memref<16xf32, #tpu.memory_space<hbm>>
      %dma_start3A_74 = tpu.memref_slice %arg4[%run_scoped3A_68, %mul3A_67] : memref<6x512xf32, #tpu.memory_space<hbm>> -> memref<1x16xf32, #tpu.memory_space<hbm>>
      %dma_start3A_75 = tpu.memref_squeeze %dma_start3A_74 : memref<1x16xf32, #tpu.memory_space<hbm>> -> memref<16xf32, #tpu.memory_space<hbm>>
      %dma_start3A_76 = arith.constant 80 : i32
      %dma_start3A_77 = tpu.memref_slice %arg9[%dma_start3A_76] : memref<96xf32, #tpu.memory_space<vmem>> -> memref<16xf32, #tpu.memory_space<vmem>>
      tpu.enqueue_dma source(%dma_start3A_77 : memref<16xf32, #tpu.memory_space<vmem>>) target(%dma_start3A_75 : memref<16xf32, #tpu.memory_space<hbm>>) target_semaphore(%run_scoped3A_69 : memref<!tpu.dma_semaphore, #tpu.memory_space<semaphore_mem>>)
      %dma_wait3A = arith.constant 80 : i32
      %dma_wait3A_78 = tpu.memref_slice %arg9[%dma_wait3A] : memref<96xf32, #tpu.memory_space<vmem>> -> memref<16xf32, #tpu.memory_space<vmem>>
      %dma_wait3A_79 = tpu.memref_slice %arg4[%run_scoped3A_68, %mul3A_67] : memref<6x512xf32, #tpu.memory_space<hbm>> -> memref<1x16xf32, #tpu.memory_space<hbm>>
      %dma_wait3A_80 = tpu.memref_squeeze %dma_wait3A_79 : memref<1x16xf32, #tpu.memory_space<hbm>> -> memref<16xf32, #tpu.memory_space<hbm>>
      %dma_wait3A_81 = tpu.memref_slice %arg4[%run_scoped3A_68, %mul3A_67] : memref<6x512xf32, #tpu.memory_space<hbm>> -> memref<1x16xf32, #tpu.memory_space<hbm>>
      %dma_wait3A_82 = tpu.memref_squeeze %dma_wait3A_81 : memref<1x16xf32, #tpu.memory_space<hbm>> -> memref<16xf32, #tpu.memory_space<hbm>>
      %dma_wait3A_83 = arith.constant 80 : i32
      %dma_wait3A_84 = tpu.memref_slice %arg9[%dma_wait3A_83] : memref<96xf32, #tpu.memory_space<vmem>> -> memref<16xf32, #tpu.memory_space<vmem>>
      tpu.wait_dma2 semaphore(%run_scoped3A_69 : memref<!tpu.dma_semaphore, #tpu.memory_space<semaphore_mem>>) src(%dma_wait3A_84 : memref<16xf32, #tpu.memory_space<vmem>>) dst(%dma_wait3A_82 : memref<16xf32, #tpu.memory_space<hbm>>)
      tpu.yield
    }) : () -> ()
    return
  }
}

module attributes {stable_mosaic.version = 14 : i64} {
  func.func @_combine_body(%arg0: memref<6x512xf32, #tpu.memory_space<vmem>>, %arg1: memref<2x1x3xf32, #tpu.memory_space<smem>>, %arg2: memref<1x1xf32, #tpu.memory_space<smem>>) attributes {dimension_semantics = [], scalar_prefetch = 0 : i64, scratch_operands = 0 : i64, tpu.core_type = #tpu.core_type<tc>} {
    %get3A = arith.constant 0 : index
    %get3A_0 = arith.constant 0 : index
    %get3A_1 = vector.load %arg0[%get3A, %get3A_0] : memref<6x512xf32, #tpu.memory_space<vmem>>, vector<1x512xf32>
    %get3A_2 = vector.shape_cast %get3A_1 : vector<1x512xf32> to vector<512xf32>
    %reduce_sum3A = vector.shape_cast %get3A_2 : vector<512xf32> to vector<1x512xf32>
    %reduce_sum3A_3 = arith.constant dense<0.000000e+00> : vector<1xf32>
    %reduce_sum3A_4 = vector.multi_reduction <add>, %reduce_sum3A, %reduce_sum3A_3 [1] : vector<1x512xf32> to vector<1xf32>
    %reduce_sum3A_5 = vector.shape_cast %reduce_sum3A_4 : vector<1xf32> to vector<1x1xf32>
    %reduce_sum3A_6 = vector.extract %reduce_sum3A_5[0, 0] : f32 from vector<1x1xf32>
    %get3A_7 = arith.constant 0 : index
    %get3A_8 = arith.constant 0 : index
    %get3A_9 = arith.constant 0 : index
    %get3A_10 = memref.load %arg1[%get3A_7, %get3A_8, %get3A_9] : memref<2x1x3xf32, #tpu.memory_space<smem>>
    %add3A = arith.addf %reduce_sum3A_6, %get3A_10 : f32
    %get3A_11 = arith.constant 1 : index
    %get3A_12 = arith.constant 0 : index
    %get3A_13 = vector.load %arg0[%get3A_11, %get3A_12] : memref<6x512xf32, #tpu.memory_space<vmem>>, vector<1x512xf32>
    %get3A_14 = vector.shape_cast %get3A_13 : vector<1x512xf32> to vector<512xf32>
    %reduce_sum3A_15 = vector.shape_cast %get3A_14 : vector<512xf32> to vector<1x512xf32>
    %reduce_sum3A_16 = arith.constant dense<0.000000e+00> : vector<1xf32>
    %reduce_sum3A_17 = vector.multi_reduction <add>, %reduce_sum3A_15, %reduce_sum3A_16 [1] : vector<1x512xf32> to vector<1xf32>
    %reduce_sum3A_18 = vector.shape_cast %reduce_sum3A_17 : vector<1xf32> to vector<1x1xf32>
    %reduce_sum3A_19 = vector.extract %reduce_sum3A_18[0, 0] : f32 from vector<1x1xf32>
    %get3A_20 = arith.constant 0 : index
    %get3A_21 = arith.constant 0 : index
    %get3A_22 = arith.constant 1 : index
    %get3A_23 = memref.load %arg1[%get3A_20, %get3A_21, %get3A_22] : memref<2x1x3xf32, #tpu.memory_space<smem>>
    %add3A_24 = arith.addf %reduce_sum3A_19, %get3A_23 : f32
    %get3A_25 = arith.constant 2 : index
    %get3A_26 = arith.constant 0 : index
    %get3A_27 = vector.load %arg0[%get3A_25, %get3A_26] : memref<6x512xf32, #tpu.memory_space<vmem>>, vector<1x512xf32>
    %get3A_28 = vector.shape_cast %get3A_27 : vector<1x512xf32> to vector<512xf32>
    %reduce_sum3A_29 = vector.shape_cast %get3A_28 : vector<512xf32> to vector<1x512xf32>
    %reduce_sum3A_30 = arith.constant dense<0.000000e+00> : vector<1xf32>
    %reduce_sum3A_31 = vector.multi_reduction <add>, %reduce_sum3A_29, %reduce_sum3A_30 [1] : vector<1x512xf32> to vector<1xf32>
    %reduce_sum3A_32 = vector.shape_cast %reduce_sum3A_31 : vector<1xf32> to vector<1x1xf32>
    %reduce_sum3A_33 = vector.extract %reduce_sum3A_32[0, 0] : f32 from vector<1x1xf32>
    %get3A_34 = arith.constant 0 : index
    %get3A_35 = arith.constant 0 : index
    %get3A_36 = arith.constant 2 : index
    %get3A_37 = memref.load %arg1[%get3A_34, %get3A_35, %get3A_36] : memref<2x1x3xf32, #tpu.memory_space<smem>>
    %add3A_38 = arith.addf %reduce_sum3A_33, %get3A_37 : f32
    %add3A_39 = arith.constant 1.000000e+00 : f32
    %add3A_40 = arith.addf %add3A_24, %add3A_39 : f32
    %sub3A = arith.subf %add3A_38, %add3A_24 : f32
    %mul3A = arith.constant 0.699999988 : f32
    %mul3A_41 = arith.mulf %mul3A, %sub3A : f32
    %add3A_42 = arith.addf %add3A_24, %mul3A_41 : f32
    %sub3A_43 = arith.subf %add3A, %add3A_24 : f32
    %mul3A_44 = arith.constant 3.000000e-01 : f32
    %mul3A_45 = arith.mulf %mul3A_44, %sub3A_43 : f32
    %add3A_46 = arith.addf %add3A_42, %mul3A_45 : f32
    %add3A_47 = arith.constant 1.000000e+00 : f32
    %add3A_48 = arith.addf %add3A_46, %add3A_47 : f32
    %div3A = arith.divf %add3A_40, %add3A_48 : f32
    %add3A_49 = arith.constant 0.000000e+00 : f32
    %add3A_50 = arith.addf %add3A_49, %div3A : f32
    %get3A_51 = arith.constant 3 : index
    %get3A_52 = arith.constant 0 : index
    %get3A_53 = vector.load %arg0[%get3A_51, %get3A_52] : memref<6x512xf32, #tpu.memory_space<vmem>>, vector<1x512xf32>
    %get3A_54 = vector.shape_cast %get3A_53 : vector<1x512xf32> to vector<512xf32>
    %reduce_sum3A_55 = vector.shape_cast %get3A_54 : vector<512xf32> to vector<1x512xf32>
    %reduce_sum3A_56 = arith.constant dense<0.000000e+00> : vector<1xf32>
    %reduce_sum3A_57 = vector.multi_reduction <add>, %reduce_sum3A_55, %reduce_sum3A_56 [1] : vector<1x512xf32> to vector<1xf32>
    %reduce_sum3A_58 = vector.shape_cast %reduce_sum3A_57 : vector<1xf32> to vector<1x1xf32>
    %reduce_sum3A_59 = vector.extract %reduce_sum3A_58[0, 0] : f32 from vector<1x1xf32>
    %get3A_60 = arith.constant 1 : index
    %get3A_61 = arith.constant 0 : index
    %get3A_62 = arith.constant 0 : index
    %get3A_63 = memref.load %arg1[%get3A_60, %get3A_61, %get3A_62] : memref<2x1x3xf32, #tpu.memory_space<smem>>
    %add3A_64 = arith.addf %reduce_sum3A_59, %get3A_63 : f32
    %get3A_65 = arith.constant 4 : index
    %get3A_66 = arith.constant 0 : index
    %get3A_67 = vector.load %arg0[%get3A_65, %get3A_66] : memref<6x512xf32, #tpu.memory_space<vmem>>, vector<1x512xf32>
    %get3A_68 = vector.shape_cast %get3A_67 : vector<1x512xf32> to vector<512xf32>
    %reduce_sum3A_69 = vector.shape_cast %get3A_68 : vector<512xf32> to vector<1x512xf32>
    %reduce_sum3A_70 = arith.constant dense<0.000000e+00> : vector<1xf32>
    %reduce_sum3A_71 = vector.multi_reduction <add>, %reduce_sum3A_69, %reduce_sum3A_70 [1] : vector<1x512xf32> to vector<1xf32>
    %reduce_sum3A_72 = vector.shape_cast %reduce_sum3A_71 : vector<1xf32> to vector<1x1xf32>
    %reduce_sum3A_73 = vector.extract %reduce_sum3A_72[0, 0] : f32 from vector<1x1xf32>
    %get3A_74 = arith.constant 1 : index
    %get3A_75 = arith.constant 0 : index
    %get3A_76 = arith.constant 1 : index
    %get3A_77 = memref.load %arg1[%get3A_74, %get3A_75, %get3A_76] : memref<2x1x3xf32, #tpu.memory_space<smem>>
    %add3A_78 = arith.addf %reduce_sum3A_73, %get3A_77 : f32
    %get3A_79 = arith.constant 5 : index
    %get3A_80 = arith.constant 0 : index
    %get3A_81 = vector.load %arg0[%get3A_79, %get3A_80] : memref<6x512xf32, #tpu.memory_space<vmem>>, vector<1x512xf32>
    %get3A_82 = vector.shape_cast %get3A_81 : vector<1x512xf32> to vector<512xf32>
    %reduce_sum3A_83 = vector.shape_cast %get3A_82 : vector<512xf32> to vector<1x512xf32>
    %reduce_sum3A_84 = arith.constant dense<0.000000e+00> : vector<1xf32>
    %reduce_sum3A_85 = vector.multi_reduction <add>, %reduce_sum3A_83, %reduce_sum3A_84 [1] : vector<1x512xf32> to vector<1xf32>
    %reduce_sum3A_86 = vector.shape_cast %reduce_sum3A_85 : vector<1xf32> to vector<1x1xf32>
    %reduce_sum3A_87 = vector.extract %reduce_sum3A_86[0, 0] : f32 from vector<1x1xf32>
    %get3A_88 = arith.constant 1 : index
    %get3A_89 = arith.constant 0 : index
    %get3A_90 = arith.constant 2 : index
    %get3A_91 = memref.load %arg1[%get3A_88, %get3A_89, %get3A_90] : memref<2x1x3xf32, #tpu.memory_space<smem>>
    %add3A_92 = arith.addf %reduce_sum3A_87, %get3A_91 : f32
    %add3A_93 = arith.constant 1.000000e+00 : f32
    %add3A_94 = arith.addf %add3A_78, %add3A_93 : f32
    %sub3A_95 = arith.subf %add3A_92, %add3A_78 : f32
    %mul3A_96 = arith.constant 0.699999988 : f32
    %mul3A_97 = arith.mulf %mul3A_96, %sub3A_95 : f32
    %add3A_98 = arith.addf %add3A_78, %mul3A_97 : f32
    %sub3A_99 = arith.subf %add3A_64, %add3A_78 : f32
    %mul3A_100 = arith.constant 3.000000e-01 : f32
    %mul3A_101 = arith.mulf %mul3A_100, %sub3A_99 : f32
    %add3A_102 = arith.addf %add3A_98, %mul3A_101 : f32
    %add3A_103 = arith.constant 1.000000e+00 : f32
    %add3A_104 = arith.addf %add3A_102, %add3A_103 : f32
    %div3A_105 = arith.divf %add3A_94, %add3A_104 : f32
    %add3A_106 = arith.addf %add3A_50, %div3A_105 : f32
    %neg3A = arith.constant 0.000000e+00 : f32
    %neg3A_107 = arith.subf %neg3A, %add3A_106 : f32
    %div3A_108 = arith.constant 2.000000e+00 : f32
    %div3A_109 = arith.divf %neg3A_107, %div3A_108 : f32
    %swap3A = arith.constant 0 : index
    %swap3A_110 = arith.constant 0 : index
    %swap3A_111 = memref.load %arg2[%swap3A, %swap3A_110] : memref<1x1xf32, #tpu.memory_space<smem>>
    memref.store %div3A_109, %arg2[%swap3A, %swap3A_110] : memref<1x1xf32, #tpu.memory_space<smem>>
    return
  }
}

module attributes {stable_mosaic.version = 14 : i64} {
  func.func @_tc_sums_body(%arg0: i32, %arg1: i32, %arg2: memref<1x1x8x128x128xf32, #tpu.memory_space<vmem>>, %arg3: memref<1x8x128x128xi32, #tpu.memory_space<vmem>>, %arg4: memref<1x3x8x128xf32, #tpu.memory_space<vmem>>, %arg5: memref<1x1x3xf32, #tpu.memory_space<smem>>) attributes {dimension_semantics = [#tpu.dimension_semantics<arbitrary>, #tpu.dimension_semantics<arbitrary>], iteration_bounds = array<i64: 2, 5>, scalar_prefetch = 0 : i64, scratch_operands = 0 : i64, tpu.core_type = #tpu.core_type<tc>, window_params = [{transform_indices = @transform_0, window_bounds = array<i64: 1, 1, 8, 128, 128>}, {transform_indices = @transform_1, window_bounds = array<i64: 1, 8, 128, 128>}, {transform_indices = @transform_2, window_bounds = array<i64: 1, 3, 8, 128>}, {transform_indices = @transform_3, window_bounds = array<i64: 1, 1, 3>}]} {
    %get3A = arith.constant 0 : index
    %get3A_0 = arith.constant 0 : index
    %get3A_1 = arith.constant 0 : index
    %get3A_2 = arith.constant 0 : index
    %get3A_3 = arith.constant 0 : index
    %get3A_4 = vector.load %arg2[%get3A, %get3A_0, %get3A_1, %get3A_2, %get3A_3] : memref<1x1x8x128x128xf32, #tpu.memory_space<vmem>>, vector<1x1x8x128x128xf32>
    %get3A_5 = vector.shape_cast %get3A_4 : vector<1x1x8x128x128xf32> to vector<8x128x128xf32>
    %get3A_6 = arith.constant 0 : index
    %get3A_7 = arith.constant 0 : index
    %get3A_8 = arith.constant 0 : index
    %get3A_9 = arith.constant 0 : index
    %get3A_10 = vector.load %arg3[%get3A_6, %get3A_7, %get3A_8, %get3A_9] : memref<1x8x128x128xi32, #tpu.memory_space<vmem>>, vector<1x8x128x128xi32>
    %get3A_11 = vector.shape_cast %get3A_10 : vector<1x8x128x128xi32> to vector<8x128x128xi32>
    %eq3A = arith.constant 3 : i32
    %eq3A_12 = vector.broadcast %eq3A : i32 to vector<8x128x128xi32>
    %eq3A_13 = arith.cmpi eq, %get3A_11, %eq3A_12 : vector<8x128x128xi32>
    %convert_element_type3A = arith.extui %eq3A_13 : vector<8x128x128xi1> to vector<8x128x128xi32>
    %convert_element_type3A_14 = arith.sitofp %convert_element_type3A : vector<8x128x128xi32> to vector<8x128x128xf32>
    %reshape3A = vector.shape_cast %get3A_5 : vector<8x128x128xf32> to vector<128x8x128xf32>
    %reshape3A_15 = vector.shape_cast %convert_element_type3A_14 : vector<8x128x128xf32> to vector<128x8x128xf32>
    %eq3A_16 = arith.constant 0 : i32
    %eq3A_17 = arith.cmpi eq, %arg1, %eq3A_16 : i32
    %convert_element_type3A_18 = arith.extui %eq3A_17 : i1 to i32
    %cond3A = arith.constant 0 : i32
    %cond3A_19 = arith.cmpi ne, %convert_element_type3A_18, %cond3A : i32
    scf.if %cond3A_19 {
      %broadcast_in_dim3A = arith.constant 0.000000e+00 : f32
      %broadcast_in_dim3A_70 = vector.broadcast %broadcast_in_dim3A : f32 to vector<1x3x8x128xf32>
      %swap3A_71 = arith.constant 0 : index
      %swap3A_72 = arith.constant 0 : index
      %swap3A_73 = arith.constant 0 : index
      %swap3A_74 = arith.constant 0 : index
      %swap3A_75 = vector.load %arg4[%swap3A_71, %swap3A_72, %swap3A_73, %swap3A_74] : memref<1x3x8x128xf32, #tpu.memory_space<vmem>>, vector<1x3x8x128xf32>
      tpu.vector_store %arg4[%swap3A_71, %swap3A_72, %swap3A_73, %swap3A_74], %broadcast_in_dim3A_70 {strides = array<i32>} : memref<1x3x8x128xf32, #tpu.memory_space<vmem>>, vector<1x3x8x128xf32>,
    } else {
    }
    %get3A_20 = arith.constant 0 : index
    %get3A_21 = arith.constant 0 : index
    %get3A_22 = arith.constant 0 : index
    %get3A_23 = arith.constant 0 : index
    %get3A_24 = vector.load %arg4[%get3A_20, %get3A_21, %get3A_22, %get3A_23] : memref<1x3x8x128xf32, #tpu.memory_space<vmem>>, vector<1x1x8x128xf32>
    %get3A_25 = vector.shape_cast %get3A_24 : vector<1x1x8x128xf32> to vector<8x128xf32>
    %reduce_sum3A = arith.constant dense<0.000000e+00> : vector<8x128xf32>
    %reduce_sum3A_26 = vector.multi_reduction <add>, %reshape3A, %reduce_sum3A [0] : vector<128x8x128xf32> to vector<8x128xf32>
    %add3A = arith.addf %get3A_25, %reduce_sum3A_26 : vector<8x128xf32>
    %swap3A = arith.constant 0 : index
    %swap3A_27 = arith.constant 0 : index
    %swap3A_28 = arith.constant 0 : index
    %swap3A_29 = arith.constant 0 : index
    %swap3A_30 = vector.load %arg4[%swap3A, %swap3A_27, %swap3A_28, %swap3A_29] : memref<1x3x8x128xf32, #tpu.memory_space<vmem>>, vector<1x1x8x128xf32>
    %swap3A_31 = vector.shape_cast %swap3A_30 : vector<1x1x8x128xf32> to vector<8x128xf32>
    %swap3A_32 = vector.shape_cast %add3A : vector<8x128xf32> to vector<1x1x8x128xf32>
    tpu.vector_store %arg4[%swap3A, %swap3A_27, %swap3A_28, %swap3A_29], %swap3A_32 {strides = array<i32>} : memref<1x3x8x128xf32, #tpu.memory_space<vmem>>, vector<1x1x8x128xf32>,
    %get3A_33 = arith.constant 0 : index
    %get3A_34 = arith.constant 1 : index
    %get3A_35 = arith.constant 0 : index
    %get3A_36 = arith.constant 0 : index
    %get3A_37 = vector.load %arg4[%get3A_33, %get3A_34, %get3A_35, %get3A_36] : memref<1x3x8x128xf32, #tpu.memory_space<vmem>>, vector<1x1x8x128xf32>
    %get3A_38 = vector.shape_cast %get3A_37 : vector<1x1x8x128xf32> to vector<8x128xf32>
    %mul3A = arith.mulf %reshape3A, %reshape3A_15 : vector<128x8x128xf32>
    %reduce_sum3A_39 = arith.constant dense<0.000000e+00> : vector<8x128xf32>
    %reduce_sum3A_40 = vector.multi_reduction <add>, %mul3A, %reduce_sum3A_39 [0] : vector<128x8x128xf32> to vector<8x128xf32>
    %add3A_41 = arith.addf %get3A_38, %reduce_sum3A_40 : vector<8x128xf32>
    %swap3A_42 = arith.constant 0 : index
    %swap3A_43 = arith.constant 1 : index
    %swap3A_44 = arith.constant 0 : index
    %swap3A_45 = arith.constant 0 : index
    %swap3A_46 = vector.load %arg4[%swap3A_42, %swap3A_43, %swap3A_44, %swap3A_45] : memref<1x3x8x128xf32, #tpu.memory_space<vmem>>, vector<1x1x8x128xf32>
    %swap3A_47 = vector.shape_cast %swap3A_46 : vector<1x1x8x128xf32> to vector<8x128xf32>
    %swap3A_48 = vector.shape_cast %add3A_41 : vector<8x128xf32> to vector<1x1x8x128xf32>
    tpu.vector_store %arg4[%swap3A_42, %swap3A_43, %swap3A_44, %swap3A_45], %swap3A_48 {strides = array<i32>} : memref<1x3x8x128xf32, #tpu.memory_space<vmem>>, vector<1x1x8x128xf32>,
    %get3A_49 = arith.constant 0 : index
    %get3A_50 = arith.constant 2 : index
    %get3A_51 = arith.constant 0 : index
    %get3A_52 = arith.constant 0 : index
    %get3A_53 = vector.load %arg4[%get3A_49, %get3A_50, %get3A_51, %get3A_52] : memref<1x3x8x128xf32, #tpu.memory_space<vmem>>, vector<1x1x8x128xf32>
    %get3A_54 = vector.shape_cast %get3A_53 : vector<1x1x8x128xf32> to vector<8x128xf32>
    %reduce_sum3A_55 = arith.constant dense<0.000000e+00> : vector<8x128xf32>
    %reduce_sum3A_56 = vector.multi_reduction <add>, %reshape3A_15, %reduce_sum3A_55 [0] : vector<128x8x128xf32> to vector<8x128xf32>
    %add3A_57 = arith.addf %get3A_54, %reduce_sum3A_56 : vector<8x128xf32>
    %swap3A_58 = arith.constant 0 : index
    %swap3A_59 = arith.constant 2 : index
    %swap3A_60 = arith.constant 0 : index
    %swap3A_61 = arith.constant 0 : index
    %swap3A_62 = vector.load %arg4[%swap3A_58, %swap3A_59, %swap3A_60, %swap3A_61] : memref<1x3x8x128xf32, #tpu.memory_space<vmem>>, vector<1x1x8x128xf32>
    %swap3A_63 = vector.shape_cast %swap3A_62 : vector<1x1x8x128xf32> to vector<8x128xf32>
    %swap3A_64 = vector.shape_cast %add3A_57 : vector<8x128xf32> to vector<1x1x8x128xf32>
    tpu.vector_store %arg4[%swap3A_58, %swap3A_59, %swap3A_60, %swap3A_61], %swap3A_64 {strides = array<i32>} : memref<1x3x8x128xf32, #tpu.memory_space<vmem>>, vector<1x1x8x128xf32>,
    %eq3A_65 = arith.constant 4 : i32
    %eq3A_66 = arith.cmpi eq, %arg1, %eq3A_65 : i32
    %convert_element_type3A_67 = arith.extui %eq3A_66 : i1 to i32
    %cond3A_68 = arith.constant 0 : i32
    %cond3A_69 = arith.cmpi ne, %convert_element_type3A_67, %cond3A_68 : i32
    scf.if %cond3A_69 {
      %get3A_70 = arith.constant 0 : index
      %get3A_71 = arith.constant 0 : index
      %get3A_72 = arith.constant 0 : index
      %get3A_73 = arith.constant 0 : index
      %get3A_74 = vector.load %arg4[%get3A_70, %get3A_71, %get3A_72, %get3A_73] : memref<1x3x8x128xf32, #tpu.memory_space<vmem>>, vector<1x1x8x128xf32>
      %get3A_75 = vector.shape_cast %get3A_74 : vector<1x1x8x128xf32> to vector<8x128xf32>
      %reduce_sum3A_76 = vector.shape_cast %get3A_75 : vector<8x128xf32> to vector<1x8x128xf32>
      %reduce_sum3A_77 = arith.constant dense<0.000000e+00> : vector<1xf32>
      %reduce_sum3A_78 = vector.multi_reduction <add>, %reduce_sum3A_76, %reduce_sum3A_77 [1, 2] : vector<1x8x128xf32> to vector<1xf32>
      %reduce_sum3A_79 = vector.shape_cast %reduce_sum3A_78 : vector<1xf32> to vector<1x1x1xf32>
      %reduce_sum3A_80 = vector.extract %reduce_sum3A_79[0, 0, 0] : f32 from vector<1x1x1xf32>
      %swap3A_81 = arith.constant 0 : index
      %swap3A_82 = arith.constant 0 : index
      %swap3A_83 = arith.constant 0 : index
      %swap3A_84 = memref.load %arg5[%swap3A_81, %swap3A_82, %swap3A_83] : memref<1x1x3xf32, #tpu.memory_space<smem>>
      memref.store %reduce_sum3A_80, %arg5[%swap3A_81, %swap3A_82, %swap3A_83] : memref<1x1x3xf32, #tpu.memory_space<smem>>
      %get3A_85 = arith.constant 0 : index
      %get3A_86 = arith.constant 1 : index
      %get3A_87 = arith.constant 0 : index
      %get3A_88 = arith.constant 0 : index
      %get3A_89 = vector.load %arg4[%get3A_85, %get3A_86, %get3A_87, %get3A_88] : memref<1x3x8x128xf32, #tpu.memory_space<vmem>>, vector<1x1x8x128xf32>
      %get3A_90 = vector.shape_cast %get3A_89 : vector<1x1x8x128xf32> to vector<8x128xf32>
      %reduce_sum3A_91 = vector.shape_cast %get3A_90 : vector<8x128xf32> to vector<1x8x128xf32>
      %reduce_sum3A_92 = arith.constant dense<0.000000e+00> : vector<1xf32>
      %reduce_sum3A_93 = vector.multi_reduction <add>, %reduce_sum3A_91, %reduce_sum3A_92 [1, 2] : vector<1x8x128xf32> to vector<1xf32>
      %reduce_sum3A_94 = vector.shape_cast %reduce_sum3A_93 : vector<1xf32> to vector<1x1x1xf32>
      %reduce_sum3A_95 = vector.extract %reduce_sum3A_94[0, 0, 0] : f32 from vector<1x1x1xf32>
      %swap3A_96 = arith.constant 0 : index
      %swap3A_97 = arith.constant 0 : index
      %swap3A_98 = arith.constant 1 : index
      %swap3A_99 = memref.load %arg5[%swap3A_96, %swap3A_97, %swap3A_98] : memref<1x1x3xf32, #tpu.memory_space<smem>>
      memref.store %reduce_sum3A_95, %arg5[%swap3A_96, %swap3A_97, %swap3A_98] : memref<1x1x3xf32, #tpu.memory_space<smem>>
      %get3A_100 = arith.constant 0 : index
      %get3A_101 = arith.constant 2 : index
      %get3A_102 = arith.constant 0 : index
      %get3A_103 = arith.constant 0 : index
      %get3A_104 = vector.load %arg4[%get3A_100, %get3A_101, %get3A_102, %get3A_103] : memref<1x3x8x128xf32, #tpu.memory_space<vmem>>, vector<1x1x8x128xf32>
      %get3A_105 = vector.shape_cast %get3A_104 : vector<1x1x8x128xf32> to vector<8x128xf32>
      %reduce_sum3A_106 = vector.shape_cast %get3A_105 : vector<8x128xf32> to vector<1x8x128xf32>
      %reduce_sum3A_107 = arith.constant dense<0.000000e+00> : vector<1xf32>
      %reduce_sum3A_108 = vector.multi_reduction <add>, %reduce_sum3A_106, %reduce_sum3A_107 [1, 2] : vector<1x8x128xf32> to vector<1xf32>
      %reduce_sum3A_109 = vector.shape_cast %reduce_sum3A_108 : vector<1xf32> to vector<1x1x1xf32>
      %reduce_sum3A_110 = vector.extract %reduce_sum3A_109[0, 0, 0] : f32 from vector<1x1x1xf32>
      %swap3A_111 = arith.constant 0 : index
      %swap3A_112 = arith.constant 0 : index
      %swap3A_113 = arith.constant 2 : index
      %swap3A_114 = memref.load %arg5[%swap3A_111, %swap3A_112, %swap3A_113] : memref<1x1x3xf32, #tpu.memory_space<smem>>
      memref.store %reduce_sum3A_110, %arg5[%swap3A_111, %swap3A_112, %swap3A_113] : memref<1x1x3xf32, #tpu.memory_space<smem>>
    } else {
    }
    return
  }
  func.func @transform_0(%arg0: i32, %arg1: i32) -> (i32, i32, i32, i32, i32) {
    %add3A = arith.constant 3 : i32
    %add3A_0 = arith.addi %arg1, %add3A : i32
    %c3_i32 = arith.constant 3 : i32
    %c0_i32 = arith.constant 0 : i32
    %c0_i32_1 = arith.constant 0 : i32
    %c0_i32_2 = arith.constant 0 : i32
    return %arg0, %c3_i32, %add3A_0, %c0_i32, %c0_i32_1 : i32, i32, i32, i32, i32
  }
  func.func @transform_1(%arg0: i32, %arg1: i32) -> (i32, i32, i32, i32) {
    %add3A = arith.constant 3 : i32
    %add3A_0 = arith.addi %arg1, %add3A : i32
    %c0_i32 = arith.constant 0 : i32
    %c0_i32_1 = arith.constant 0 : i32
    %c0_i32_2 = arith.constant 0 : i32
    return %arg0, %add3A_0, %c0_i32, %c0_i32_1 : i32, i32, i32, i32
  }
  func.func @transform_2(%arg0: i32, %arg1: i32) -> (i32, i32, i32, i32) {
    %c0_i32 = arith.constant 0 : i32
    %c0_i32_0 = arith.constant 0 : i32
    %c0_i32_1 = arith.constant 0 : i32
    %c0_i32_2 = arith.constant 0 : i32
    return %arg0, %c0_i32, %c0_i32_0, %c0_i32_1 : i32, i32, i32, i32
  }
  func.func @transform_3(%arg0: i32, %arg1: i32) -> (i32, i32, i32) {
    %c0_i32 = arith.constant 0 : i32
    %c0_i32_0 = arith.constant 0 : i32
    %c0_i32_1 = arith.constant 0 : i32
    return %arg0, %c0_i32, %c0_i32_0 : i32, i32, i32
  }
}

</mosaic_0001>

<sc_bundles>
// kernel: kernel.5.cloned.1.call-start
scs
__scs_entry_jumppad:
0x0: {  	(pc) =	sbr.rel $0x88, $3  }
0x1: {  	(tag) =	ssettag $0x0;
	lr =	simm.s32 $0x1  }
0x2: {  	[smem:$0x3F9F] =	sst lr;
	_ =	strace $0xD0000000  }
0x3: {  	_ = 	snop  }
0x4: {  	_ = 	snop  }
0x5: {  	_ = 	snop  }
0x6: {  	_ = 	snop  }
0x7: {  	_ = 	snop  }
__scs_overlays_trampoline_lowered:
0x8: {  	[smem:$0x3FAE] =	sst s0  }
0x9: {  	[smem:$0x3FAF] =	sst s1  }
0xa: {  	[smem:$0x3FB0] =	sst s2  }
0xb: {  	[smem:$0x3FB1] =	sst s3  }
0xc: {  	[smem:$0x3FB2] =	sst s4  }
0xd: {  	[smem:$0x3FB3] =	sst s5  }
0xe: {  	[smem:$0x3FB4] =	sst s6  }
0xf: {  	[smem:$0x3FB5] =	sst s7  }
0x10: {  	[smem:$0x3FB6] =	sst s8  }
0x11: {  	[smem:$0x3FB7] =	sst s9;
	s0 =	simm.s32 @!p0 $0x0  }
0x12: {  	s1 =	sld [smem:$0x3F9D];
	s0 =	simm.s32 @p0 $0x1  }
0x13: {  	[smem:$0x3FB8] =	sst s0;
	s0 =	simm.s32 @!p1 $0x0  }
0x14: {  	s2 =	sld [smem:$0x3F9C];
	s0 =	simm.s32 @p1 $0x1  }
0x15: {  	[smem:$0x3FB9] =	sst s0;
	s0 =	simm.s32 @!p2 $0x0  }
0x16: {  	s3 =	sld [smem:$0x3FDB];
	s0 =	simm.s32 @p2 $0x1  }
0x17: {  	s4 =	simm.s32 $0x1BF5;
	[smem:$0x3FBB] =	sst s0  }
0x18: {  	s0 =	sld [smem:$0x3F9E];
	_ =	swait.ge [sflag:s4], $0x0  }
0x19: {  	s7 =	sld [smem:$0x3F9F]  }
0x1a: {  	s8 =	sadd.s32 $0xFFFFE003, lr  }
0x1b: {  	s9 =	sadd.s32 $0xFFFFFEF7, lr;
	s5 =	simm.s32 $0xFFFFFFFF;
	p2 =	slt.u32 s8, $0xFFFFF086  }
0x1c: {  	p1 =	slt.u32 s9, $0xF7A;
	s5 =	simm.s32 @!p2 $0x0  }
0x1d: {  	s5 =	simm.s32 @p1 $0x1;
	p0 =	seq.s32 s7, s2  }
0x1e: {  	s7 =	smul.u32 @!p0 $0xF7A, s2;
	p2 =	seq.s32 @!p0 s5, $0x0  }
0x1f: {  	s9 =	smul.u32 $0xF7A, s1;
	s8 =	simm.s32 @!p0 $0x1BF5;
	p2 =	por !p2, p0  }
0x20: {  	[sflag:s8] =	ssyncset.s32 @!p0 $0xFFFFF086;
	s6 =	sadd.s32 @!p0 s3, s7;
	s7 =	simm.s32 @!p0 $0x108  }
0x21: {  	s3 =	sadd.s32 s3, s9;
	s6 =	sadd.s32 @!p0 $0x88, s6;
	s7 =	simm.s32 @p2 $0x1082  }
0x22: {  	[simem:s7], [sflag:s8] =	dma.local @!p0 [hbm:s6], $0xF7A  }
0x23: {  	s9 =	sor.u32 $0xD0000000, s2;
	s6 =	simm.s32 $0x108;
	_ =	swait.ge @!p0 [sflag:s8], $0x0  }
0x24: {  	s3 =	sadd.s32 $0x88, s3;
	s6 =	simm.s32 @!p1 $0x1082;
	[sflag:s4] =	ssyncset.s32 $0xFFFFF086  }
0x25: {  	[simem:s6], [sflag:s4] =	dma.local [hbm:s3], $0xF7A  }
0x26: {  	[smem:$0x3F9F] =	sst s1;
	(tag) =	ssettag s2;
	_ =	strace s9  }
0x27: {  	s1 =	sld [smem:$0x3FAF]  }
0x28: {  	s2 =	sld [smem:$0x3FB0]  }
0x29: {  	s4 =	sld [smem:$0x3FB2]  }
0x2a: {  	p0 =	seq.s32 s5, $0x0;
	s5 =	sld [smem:$0x3FB3]  }
0x2b: {  	s6 =	sld [smem:$0x3FB4]  }
0x2c: {  	s7 =	sld [smem:$0x3FB5]  }
0x2d: {  	s3 =	simm.s32 $0x108;
	s8 =	sld [smem:$0x3FB6]  }
0x2e: {  	s3 =	simm.s32 @!p0 $0x1082;
	s9 =	sld [smem:$0x3FB7]  }
0x2f: {  	lr =	sadd.s32 s0, s3;
	s0 =	sld [smem:$0x3FAE]  }
0x30: {  	s3 =	sld [smem:$0x3FB1]  }
0x31: {  	[smem:$0x3FBA] =	sst s10  }
0x32: {  	s10 =	sld [smem:$0x3FB8];
	_ =	sdelay $0x3  }
0x33: {  	p0 =	seq.s32 s10, $0x1;
	s10 =	sld [smem:$0x3FBA];
	_ =	sdelay $0x3  }
0x34: {  	[smem:$0x3FBA] =	sst s10  }
0x35: {  	s10 =	sld [smem:$0x3FB9];
	_ =	sdelay $0x3  }
0x36: {  	p1 =	seq.s32 s10, $0x1;
	s10 =	sld [smem:$0x3FBA];
	_ =	sdelay $0x3  }
0x37: {  	[smem:$0x3FBA] =	sst s10  }
0x38: {  	s10 =	sld [smem:$0x3FBB]  }
0x39: {  	_ = 	snop;
	(pc) =	sbr.ind lr, $3  }
0x3a: {  	_ = 	snop  }
0x3b: {  	_ = 	snop  }
0x3c: {  	p2 =	seq.s32 s10, $0x1;
	s10 =	sld [smem:$0x3FBA]  }
0x3d: {  	_ =	shalt  }
0x3e: {  	_ =	shalt  }
0x3f: {  	_ =	shalt  }
0x40: {  	_ =	shalt  }
0x41: {  	_ =	shalt  }
0x42: {  	_ =	shalt  }
0x43: {  	_ =	shalt  }
0x44: {  	_ =	shalt  }
0x45: {  	_ =	shalt  }
0x46: {  	_ =	shalt  }
0x47: {  	_ =	shalt  }
0x48: {  	_ =	shalt  }
0x49: {  	_ =	shalt  }
0x4a: {  	_ =	shalt  }
0x4b: {  	_ =	shalt  }
0x4c: {  	_ =	shalt  }
0x4d: {  	_ =	shalt  }
0x4e: {  	_ =	shalt  }
0x4f: {  	_ =	shalt  }
0x50: {  	_ =	shalt  }
0x51: {  	_ =	shalt  }
0x52: {  	_ =	shalt  }
0x53: {  	_ =	shalt  }
0x54: {  	_ =	shalt  }
0x55: {  	_ =	shalt  }
0x56: {  	_ =	shalt  }
0x57: {  	_ =	shalt  }
0x58: {  	_ =	shalt  }
0x59: {  	_ =	shalt  }
0x5a: {  	_ =	shalt  }
0x5b: {  	_ =	shalt  }
0x5c: {  	_ =	shalt  }
0x5d: {  	_ =	shalt  }
0x5e: {  	_ =	shalt  }
0x5f: {  	_ =	shalt  }
0x60: {  	_ =	shalt  }
0x61: {  	_ =	shalt  }
0x62: {  	_ =	shalt  }
0x63: {  	_ =	shalt  }
0x64: {  	_ =	shalt  }
0x65: {  	_ =	shalt  }
0x66: {  	_ =	shalt  }
0x67: {  	_ =	shalt  }
0x68: {  	_ =	shalt  }
0x69: {  	_ =	shalt  }
0x6a: {  	_ =	shalt  }
0x6b: {  	_ =	shalt  }
0x6c: {  	_ =	shalt  }
0x6d: {  	_ =	shalt  }
0x6e: {  	_ =	shalt  }
0x6f: {  	_ =	shalt  }
0x70: {  	_ =	shalt  }
0x71: {  	_ =	shalt  }
0x72: {  	_ =	shalt  }
0x73: {  	_ =	shalt  }
0x74: {  	_ =	shalt  }
0x75: {  	_ =	shalt  }
0x76: {  	_ =	shalt  }
0x77: {  	_ =	shalt  }
0x78: {  	_ =	shalt  }
0x79: {  	_ =	shalt  }
0x7a: {  	_ =	shalt  }
0x7b: {  	_ =	shalt  }
0x7c: {  	_ =	shalt  }
0x7d: {  	_ =	shalt  }
0x7e: {  	_ =	shalt  }
0x7f: {  	_ =	shalt  }
0x80: {  	_ =	shalt  }
0x81: {  	_ =	shalt  }
0x82: {  	_ =	shalt  }
0x83: {  	_ =	shalt  }
0x84: {  	_ =	shalt  }
0x85: {  	_ =	shalt  }
0x86: {  	_ =	shalt  }
0x87: {  	_ =	shalt  }
.Lfunc_end0:
.L_simem_size_0:
called_computation_lowered:
.L_overlay_start_0:
0x88: {  	s2 =	sld [smem:$0x3FD9]  }
0x89: {  	s3 =	sld [smem:$0x3FFE];
	_ =	sdelay $0x1  }
0x8a: {  	s1 =	srdreg.scid  }
0x8b: {  	s0 =	sand.u32 $0x1, s1  }
0x8c: {  	s17 =	sshll.u32 s0, $0xA;
	s2 =	sadd.s32 s3, s2  }
0x8d: {  	s2 =	sadd.s32 s2, s17  }
0x8e: {  	[smem:$0x3FC6] =	sst s2  }
0x8f: {  	_ = 	snop  }
0x90: {  	s2 =	sld [smem:$0x3FC9]  }
0x91: {  	s18 =	sld [smem:$0x3FC8];
	(tm) =	ssettm $0x1  }
0x92: {  	s4 =	sld [smem:$0x3FFB];
	_ =	sdelay $0x3  }
0x93: {  	_ =	strace s4  }
0x94: {  	s4 =	sld [smem:$0x3FFC];
	_ =	sdelay $0x3  }
0x95: {  	_ =	strace s4  }
0x96: {  	s4 =	sld [smem:$0x3FFD];
	_ =	sdelay $0x3  }
0x97: {  	_ =	strace s4  }
0x98: {  	_ =	strace $0x8FFFFFFF  }
0x99: {  	s19 =	sld [smem:$0x3FDB];
	_ =	sdelay $0x1  }
0x9a: {  	s5 =	simm.s32 $_scs_section_size  }
0x9b: {  	s6 =	simm.s32 $_size__tile_overlayer_lowered;
	s7 =	simm.s32 $_tile_overlayer_lowered  }
0x9c: {  	s22 =	simm.s32 $0x1BFF;
	s21 =	sshll.u32 s7, $0x1;
	s4 =	sadd.s32 s5, s19  }
0x9d: {  	s8 =	simm.s32 $0x0;
	s20 =	sshll.u32 s6, $0x1;
	s6 =	sadd.s32 s21, s4  }
0x9e: {  	[timem:s8], [sflag:s22] =	dma.local [hbm:s6], s20  }
0x9f: {  	_ =	swait.ge [sflag:s22], s20  }
0xa0: {  	s5 =	ssub.s32 $0x0, s20;
	[sflag:s22] =	ssyncset.done $0x0  }
0xa1: {  	[sflag:s22] =	ssyncadd.s32 s5;
	_ =	sdelay $0x1  }
0xa2: {  	s23 =	simm.s32 $0x1B8B  }
0xa3: {  	_ =	swait.ge [sflag:s23], $0x1  }
0xa4: {  	[sflag:s23] =	ssyncset.done $0x0  }
0xa5: {  	s25 =	simm.s32 $0x1B8E;
	s24 =	sld [smem:$0x3FFE];
	[sflag:s23] =	ssyncadd.s32 $0xFFFFFFFF  }
0xa6: {  	s26 =	simm.s32 $execute0_lowered;
	[smem:$0x3FD2] =	sst s25  }
0xa7: {  	s6 =	sshll.u32 s26, $0x1;
	_ =	strace $0x80000046;
	[dreg:$0x1] =	wrdreg $0xFFFFFFFF  }
0xa8: {  	s28 =	simm.s32 $_size_execute0_lowered;
	s4 =	sadd.s32 s4, s6;
	[dreg:$0x0] =	wrdreg $0x0  }
0xa9: {  	s6 =	sshll.u32 s28, $0x1;
	[dreg:$0x2] =	wrdreg s4  }
0xaa: {  	[dreg:$0x3] =	wrdreg s6  }
0xab: {  	[dreg:$0x4] =	wrdreg $0xC0  }
0xac: {  	_ =	task [dreg:s8], $0x5FFFF  }
0xad: {  	[dreg:$0x1] =	wrdreg $0xFFFFFFFF  }
0xae: {  	[dreg:$0x0] =	wrdreg $0x60  }
0xaf: {  	[dreg:$0x2] =	wrdreg s2  }
0xb0: {  	[dreg:$0x3] =	wrdreg s18  }
0xb1: {  	[dreg:$0x4] =	wrdreg s24  }
0xb2: {  	[dreg:$0x5] =	wrdreg $0x9  }
0xb3: {  	_ =	task.clear_ibuf [dreg:s8], $0x6FFFF;
	_ =	strace $0x90000046  }
0xb4: {  	s29 =	simm.s32 $0x9;
	_ =	strace $0x80000048  }
0xb5: {  	_ =	swait.ge [sflag:s29], $0x1  }
0xb6: {  	[sflag:s29] =	ssyncadd.s32 $0xFFFFFFFF  }
0xb7: {  	_ =	strace $0x90000048  }
0xb8: {  	_ =	sfence  }
0xb9: {  	s30 =	sld [smem:$0x0];
	_ =	sdelay $0x2  }
0xba: {  	s31 =	sshll.u32 s1, $0xD;
	s1 =	sshrl.u32 s1, $0x2  }
0xbb: {  	s3 =	sand.u32 $0x4000, s31;
	s1 =	sadd.s32 s1, s30  }
0xbc: {  	s0 =	sor.u32 s3, s0;
	s1 =	sshll.u32 s1, $0x11  }
0xbd: {  	s0 =	sor.u32 s1, s0  }
0xbe: {  	s0 =	sadd.s32 $0x8F2B, s0  }
0xbf: {  	[sflag:s0] =	ssyncadd.remote.s32 $0x1  }
0xc0: {  	_ =	sfence.sel $0xFFFF  }
0xc1: {  	[dreg:$0x0] =	wrdreg $0xFFFFFFFF;
	(pc) =	sbr.abs _section_cstart, $3  }
0xc2: {  	[dreg:$0x1] =	wrdreg $0xFFFFFFFF  }
0xc3: {  	_ =	task.clear_ibuf [dreg:s8], $0x2FFFF;
	_ =	strace $0x9FFFFFFF  }
0xc4: {  	(tm) =	ssettm $0x7FFFFFFF  }
0xc5: {  	_ =	shalt  }
tec
execute0_lowered:
.L_overlay_start_1:
0x0: {  	(tag) =	ssettag $0x1  }
0x1: {  	s0 =	rddreg [dreg:$0x0]  }
0x2: {  	s1 =	rddreg [dreg:$0x1]  }
0x3: {  	s3 =	rddreg [dreg:$0x2];
	s4 =	srdreg.scid  }
0x4: {  	s7 =	stileid.u32;
	s2 =	simm.s32 $0x0;
	s19 =	simm.s32 $0x1800  }
0x5: {  	s20 =	simm.s32 $0x4800;
	s21 =	simm.s32 $0x1;
	s22 =	simm.s32 $0x3  }
0x6: {  	s23 =	simm.s32 $0x2;
	s24 =	simm.s32 $0x4;
	s26 =	simm.s32 $0x5  }
0x7: {  	s30 =	simm.s32 $0x6030;
	s4 =	sand.u32 $0x1, s4;
	s5 =	sshll.u32 s7, $0x1  }
0x8: {  	s31 =	simm.s32 $0x6040;
	[smem:$0x7FF] =	sst s2;
	s5 =	sor.u32 s4, s5  }
0x9: {  	s7 =	sshll.u32 s7, $0x5;
	s4 =	ssub.s32 $0x2, s4;
	s6 =	sshll.u32 s5, $0x1  }
0xa: {  	s5 =	smul.u32 $0x3000, s5;
	s29 =	sshrl.u32 s4, $0x1;
	s6 =	sor.u32 s7, s6  }
0xb: {  	_ =	strace $0x80000047;
	s17 =	ssub.s32 s4, s29;
	s6 =	sand.u32 $0x18E, s6  }
0xc: {  	s5 =	sshrl.u32 s5, $0x3;
	s17 =	smax.u32 s17, $0x1;
	s16 =	sadd.s32 s6, s3  }
0xd: {  	s0 =	sadd.s32 s0, s5;
	s4 =	sadd.s32 s1, s5;
	s1 =	simm.s32 $0x0  }
.Ltmp0:
0xe: {  	s3 =	sadd.s32 $0x60000, s0;
	s5 =	sadd.s32 $0x60300, s0;
	(pc) =	sbr.rel .LBB2_1-.Ltmp0, $4  }
0xf: {  	s6 =	sadd.s32 $0x300, s4;
	s7 =	sadd.s32 $0xE0000, s0;
	s8 =	sadd.s32 $0x20000, s4  }
0x10: {  	s9 =	sadd.s32 $0xE0300, s0;
	s10 =	sadd.s32 $0x20300, s4;
	s11 =	sadd.s32 $0xA00, s16  }
0x11: {  	s12 =	sadd.s32 $0xA10, s16;
	s13 =	sadd.s32 $0xA20, s16;
	s14 =	sadd.s32 $0xA30, s16  }
0x12: {  	v0 =	vimm.f32 $0.0e+00;
	s15 =	sadd.s32 $0xA40, s16;
	s16 =	sadd.s32 $0xA50, s16;
	s0 =	simm.s32 $0x6050  }
.LBB2_8:
0x13: {  	s18 =	simm.s32 $0x6000  }
0x14: {  	[hbm4b:s11+s2] =	stream.linear.scatter [tilespmem:s18], [sflag:$0x5], $0x10, $0x38;
	[tilespmem:$0x6080] =	vst v63  }
0x15: {  	_ =	swait.ge [sflag:s26], $0x10  }
0x16: {  	[sflag:s26] =	ssyncset.done $0x0  }
0x17: {  	s28 =	simm.s32 $0x6010;
	[sflag:s26] =	ssyncadd.s32 $0xFFFFFFF0  }
0x18: {  	[hbm4b:s12+s2] =	stream.linear.scatter [tilespmem:s28], [sflag:$0x5], $0x10, $0x38;
	[tilespmem:$0x6080] =	vst v63  }
0x19: {  	_ =	swait.ge [sflag:s26], $0x10  }
0x1a: {  	[sflag:s26] =	ssyncset.done $0x0  }
0x1b: {  	s29 =	simm.s32 $0x6020;
	[sflag:s26] =	ssyncadd.s32 $0xFFFFFFF0  }
0x1c: {  	[hbm4b:s13+s2] =	stream.linear.scatter [tilespmem:s29], [sflag:$0x5], $0x10, $0x38;
	[tilespmem:$0x6080] =	vst v63  }
0x1d: {  	_ =	swait.ge [sflag:s26], $0x10  }
0x1e: {  	[sflag:s26] =	ssyncset.done $0x0  }
0x1f: {  	[sflag:s26] =	ssyncadd.s32 $0xFFFFFFF0  }
0x20: {  	[hbm4b:s14+s2] =	stream.linear.scatter [tilespmem:s30], [sflag:$0x5], $0x10, $0x38;
	[tilespmem:$0x6080] =	vst v63  }
0x21: {  	_ =	swait.ge [sflag:s26], $0x10  }
0x22: {  	[sflag:s26] =	ssyncset.done $0x0  }
0x23: {  	[sflag:s26] =	ssyncadd.s32 $0xFFFFFFF0  }
0x24: {  	[hbm4b:s15+s2] =	stream.linear.scatter [tilespmem:s31], [sflag:$0x5], $0x10, $0x38;
	[tilespmem:$0x6080] =	vst v63  }
0x25: {  	s1 =	sadd.s32 $0x1, s1;
	_ =	swait.ge [sflag:s26], $0x10  }
0x26: {  	p0 =	sne.s32 s1, s17;
	[sflag:s26] =	ssyncset.done $0x0  }
.Ltmp1:
0x27: {  	[sflag:s26] =	ssyncadd.s32 $0xFFFFFFF0;
	(pc) =	sbr.rel @!p0 .LBB2_9-.Ltmp1, $4  }
0x28: {  	[hbm4b:s16+s2] =	stream.linear.scatter [tilespmem:s0], [sflag:$0x5], $0x10, $0x38;
	[tilespmem:$0x6080] =	vst v63  }
0x29: {  	_ =	swait.ge [sflag:s26], $0x10  }
0x2a: {  	[sflag:s26] =	ssyncset.done $0x0  }
0x2b: {  	[sflag:s26] =	ssyncadd.s32 $0xFFFFFFF0  }
.LBB2_1:
0x2c: {  	[tilespmem:$0x6000] =	vst v0  }
0x2d: {  	[tilespmem:$0x6010] =	vst v0  }
0x2e: {  	[tilespmem:$0x6020] =	vst v0  }
0x2f: {  	[tilespmem:$0x6030] =	vst v0  }
0x30: {  	[tilespmem:$0x6040] =	vst v0  }
0x31: {  	[tilespmem:$0x6050] =	vst v0  }
0x32: {  	[tilespmem:s2], [sflag:$0x1] =	stream.linear.gather [hbm4b:s3+s2], $0x1800, $0x38;
	[tilespmem:$0x6080] =	vst v63  }
0x33: {  	s18 =	simm.s32 $0x3000  }
0x34: {  	[tilespmem:s18], [sflag:$0x3] =	stream.linear.gather [hbm4b:s4+s2], $0x1800, $0x38;
	[tilespmem:$0x6080] =	vst v63  }
0x35: {  	p0 =	por $0x1, $0x1;
	s25 =	smov.u32 s6;
	s18 =	simm.s32 $0x0  }
0x36: {  	[tilespmem:s19], [sflag:$0x2] =	stream.linear.gather [hbm4b:s5+s2], $0x1800, $0x38;
	[tilespmem:$0x6080] =	vst v63  }
.LBB2_2:
0x37: {  	[tilespmem:s20], [sflag:$0x4] =	stream.linear.gather [hbm4b:s25+s2], $0x1800, $0x38;
	[tilespmem:$0x6080] =	vst v63  }
0x38: {  	_ =	swait.ge [sflag:s21], $0x1800  }
0x39: {  	[sflag:s21] =	ssyncset.done $0x0  }
0x3a: {  	[sflag:s21] =	ssyncadd.s32 $0xFFFFE800  }
0x3b: {  	_ =	swait.ge [sflag:s22], $0x1800  }
0x3c: {  	[sflag:s22] =	ssyncset.done $0x0  }
0x3d: {  	s28 =	simm.s32 $0x3020;
	[sflag:s22] =	ssyncadd.s32 $0xFFFFE800  }
0x3e: {  	s25 =	simm.s32 $0x20;
	v2 =	vld [tilespmem:s28+$0xFFFFFFE0]  }
0x3f: {  	v3 =	vld [tilespmem:s25+$0xFFFFFFE0]  }
0x40: {  	v4 =	vld [tilespmem:s28+$0xFFFFFFF0]  }
0x41: {  	v5 =	vld [tilespmem:s25+$0xFFFFFFF0]  }
0x42: {  	v1 =	vld [tilespmem:s28+$0x0]  }
0x43: {  	v6 =	vimm.f32 $0.0e+00;
	vm0 =	veq.s32 v2, $0x3;
	v2 =	vld [tilespmem:s25+$0x0]  }
0x44: {  	v8 =	vadd.f32 v3, v6;
	v7 =	vnsel vm0, $0x0, v3;
	v9 =	vsel vm0, $0x3F800000, v0;
	v3 =	vld [tilespmem:s28+$0x10]  }
0x45: {  	s29 =	simm.s32 $0x3060;
	s28 =	simm.s32 $0x0;
	vm0 =	veq.s32 v4, $0x3;
	v4 =	vld [tilespmem:s25+$0x10];
	v7 =	vadd.f32 v7, v6;
	v6 =	vadd.f32 v9, v6  }
.LBB2_3:
0x46: {  	v9 =	vld [tilespmem:s29+$0xFFFFFFE0];
	s28 =	sadd.s32 $0x4, s28;
	v8 =	vadd.f32 v5, v8;
	v5 =	vnsel vm0, $0x0, v5;
	v10 =	vsel vm0, $0x3F800000, v0;
	s25 =	sadd.s32 $0x40, s25  }
0x47: {  	v11 =	vld [tilespmem:s25+$0xFFFFFFE0];
	p1 =	slt.u32 s28, $0x17C;
	v7 =	vadd.f32 v5, v7;
	v6 =	vadd.f32 v10, v6;
	vm0 =	veq.s32 v1, $0x3  }
0x48: {  	v10 =	vld [tilespmem:s29+$0xFFFFFFF0];
	v8 =	vadd.f32 v2, v8;
	v1 =	vnsel vm0, $0x0, v2;
	v2 =	vsel vm0, $0x3F800000, v0  }
.Ltmp2:
0x49: {  	v5 =	vld [tilespmem:s25+$0xFFFFFFF0];
	v7 =	vadd.f32 v1, v7;
	v6 =	vadd.f32 v2, v6;
	vm0 =	veq.s32 v3, $0x3;
	(pc) =	sbr.rel @p1 .LBB2_3-.Ltmp2, $4  }
0x4a: {  	v1 =	vld [tilespmem:s29+$0x0];
	v3 =	vadd.f32 v4, v8;
	v4 =	vnsel vm0, $0x0, v4;
	v8 =	vsel vm0, $0x3F800000, v0  }
0x4b: {  	vm0 =	veq.s32 v9, $0x3;
	v2 =	vld [tilespmem:s25+$0x0];
	v4 =	vadd.f32 v4, v7;
	v6 =	vadd.f32 v8, v6  }
0x4c: {  	v8 =	vadd.f32 v11, v3;
	v7 =	vnsel vm0, $0x0, v11;
	v9 =	vsel vm0, $0x3F800000, v0;
	v3 =	vld [tilespmem:s29+$0x10]  }
0x4d: {  	s29 =	sadd.s32 $0x40, s29;
	v7 =	vadd.f32 v7, v4;
	v6 =	vadd.f32 v9, v6;
	vm0 =	veq.s32 v10, $0x3;
	v4 =	vld [tilespmem:s25+$0x10]  }
0x4e: {  	v8 =	vadd.f32 v5, v8;
	v5 =	vnsel vm0, $0x0, v5;
	s18 =	sshra.s32 s18, $0x2  }
0x4f: {  	v9 =	vsel vm0, $0x3F800000, v0;
	v5 =	vadd.f32 v5, v7;
	vm0 =	veq.s32 v1, $0x3;
	v1 =	vld [tilespmem:s18+$0x6000]  }
0x50: {  	v6 =	vadd.f32 v9, v6;
	v7 =	vadd.f32 v2, v8;
	v2 =	vnsel vm0, $0x0, v2;
	v8 =	vld [tilespmem:s18+$0x6010]  }
0x51: {  	v9 =	vsel vm0, $0x3F800000, v0;
	v2 =	vadd.f32 v2, v5;
	vm0 =	veq.s32 v3, $0x3;
	v3 =	vld [tilespmem:s18+$0x6020]  }
0x52: {  	v5 =	vadd.f32 v9, v6;
	v6 =	vadd.f32 v4, v7;
	v4 =	vnsel vm0, $0x0, v4  }
0x53: {  	v7 =	vsel vm0, $0x3F800000, v0;
	v2 =	vadd.f32 v4, v2  }
0x54: {  	v4 =	vadd.f32 v7, v5;
	v1 =	vadd.f32 v1, v6  }
0x55: {  	v2 =	vadd.f32 v8, v2  }
0x56: {  	[tilespmem:s18+$0x6000] =	vst v1;
	v1 =	vadd.f32 v3, v4  }
0x57: {  	[tilespmem:s18+$0x6010] =	vst v2  }
0x58: {  	s25 =	simm.s32 @p0 $0x0;
	[tilespmem:s18+$0x6020] =	vst v1  }
0x59: {  	[tilespmem:s25], [sflag:$0x1] =	stream.linear.gather @p0 [hbm4b:s7+s25], $0x1800, $0x38;
	[tilespmem:$0x6080] =	vst v63  }
0x5a: {  	s28 =	simm.s32 @p0 $0x3000  }
0x5b: {  	[tilespmem:s28], [sflag:$0x3] =	stream.linear.gather @p0 [hbm4b:s8+s25], $0x1800, $0x38;
	[tilespmem:$0x6080] =	vst v63  }
0x5c: {  	_ =	swait.ge [sflag:s23], $0x1800  }
0x5d: {  	[sflag:s23] =	ssyncset.done $0x0  }
0x5e: {  	[sflag:s23] =	ssyncadd.s32 $0xFFFFE800  }
0x5f: {  	_ =	swait.ge [sflag:s24], $0x1800  }
0x60: {  	[sflag:s24] =	ssyncset.done $0x0  }
0x61: {  	s28 =	simm.s32 $0x4820;
	[sflag:s24] =	ssyncadd.s32 $0xFFFFE800  }
0x62: {  	s25 =	simm.s32 $0x1820;
	v2 =	vld [tilespmem:s28+$0xFFFFFFE0]  }
0x63: {  	v3 =	vld [tilespmem:s25+$0xFFFFFFE0]  }
0x64: {  	v4 =	vld [tilespmem:s28+$0xFFFFFFF0]  }
0x65: {  	v5 =	vld [tilespmem:s25+$0xFFFFFFF0]  }
0x66: {  	v1 =	vld [tilespmem:s28+$0x0]  }
0x67: {  	v6 =	vimm.f32 $0.0e+00;
	vm0 =	veq.s32 v2, $0x3;
	v2 =	vld [tilespmem:s25+$0x0]  }
0x68: {  	v7 =	vadd.f32 v3, v6;
	v8 =	vnsel vm0, $0x0, v3;
	v9 =	vsel vm0, $0x3F800000, v0;
	v3 =	vld [tilespmem:s28+$0x10]  }
0x69: {  	s29 =	simm.s32 $0x4860;
	s28 =	simm.s32 $0x0;
	vm0 =	veq.s32 v4, $0x3;
	v4 =	vld [tilespmem:s25+$0x10];
	v8 =	vadd.f32 v8, v6;
	v6 =	vadd.f32 v9, v6  }
.LBB2_5:
0x6a: {  	v9 =	vld [tilespmem:s29+$0xFFFFFFE0];
	s28 =	sadd.s32 $0x4, s28;
	v7 =	vadd.f32 v5, v7;
	v5 =	vnsel vm0, $0x0, v5;
	v10 =	vsel vm0, $0x3F800000, v0;
	s25 =	sadd.s32 $0x40, s25  }
0x6b: {  	v11 =	vld [tilespmem:s25+$0xFFFFFFE0];
	p1 =	slt.u32 s28, $0x17C;
	v8 =	vadd.f32 v5, v8;
	v6 =	vadd.f32 v10, v6;
	vm0 =	veq.s32 v1, $0x3  }
0x6c: {  	v10 =	vld [tilespmem:s29+$0xFFFFFFF0];
	v7 =	vadd.f32 v2, v7;
	v1 =	vnsel vm0, $0x0, v2;
	v2 =	vsel vm0, $0x3F800000, v0  }
.Ltmp3:
0x6d: {  	v5 =	vld [tilespmem:s25+$0xFFFFFFF0];
	v8 =	vadd.f32 v1, v8;
	v6 =	vadd.f32 v2, v6;
	vm0 =	veq.s32 v3, $0x3;
	(pc) =	sbr.rel @p1 .LBB2_5-.Ltmp3, $4  }
0x6e: {  	v1 =	vld [tilespmem:s29+$0x0];
	v3 =	vadd.f32 v4, v7;
	v4 =	vnsel vm0, $0x0, v4;
	v7 =	vsel vm0, $0x3F800000, v0  }
0x6f: {  	vm0 =	veq.s32 v9, $0x3;
	v2 =	vld [tilespmem:s25+$0x0];
	v4 =	vadd.f32 v4, v8;
	v6 =	vadd.f32 v7, v6  }
0x70: {  	v7 =	vadd.f32 v11, v3;
	v8 =	vnsel vm0, $0x0, v11;
	v9 =	vsel vm0, $0x3F800000, v0;
	v3 =	vld [tilespmem:s29+$0x10]  }
0x71: {  	s29 =	sadd.s32 $0x40, s29;
	v8 =	vadd.f32 v8, v4;
	v6 =	vadd.f32 v9, v6;
	vm0 =	veq.s32 v10, $0x3;
	v4 =	vld [tilespmem:s25+$0x10]  }
0x72: {  	v7 =	vadd.f32 v5, v7;
	v56 =	vnsel vm0, $0x0, v5  }
0x73: {  	v9 =	vsel vm0, $0x3F800000, v0;
	v5 =	vadd.f32 v56, v8;
	vm14 =	veq.s32 v1, $0x3;
	v1 =	vld [tilespmem:s18+$0x6000]  }
0x74: {  	v57 =	vld [tilespmem:s18+$0x6010];
	v6 =	vadd.f32 v9, v6;
	v7 =	vadd.f32 v2, v7;
	v2 =	vnsel vm14, $0x0, v2  }
0x75: {  	v58 =	vsel vm14, $0x3F800000, v0;
	v2 =	vadd.f32 v2, v5;
	vm15 =	veq.s32 v3, $0x3;
	v3 =	vld [tilespmem:s18+$0x6020]  }
0x76: {  	v59 =	vadd.f32 v58, v6;
	v60 =	vadd.f32 v4, v7;
	v61 =	vnsel vm15, $0x0, v4  }
0x77: {  	v62 =	vsel vm15, $0x3F800000, v0;
	v2 =	vadd.f32 v61, v2  }
.Ltmp4:
0x78: {  	v63 =	vadd.f32 v62, v59;
	v1 =	vadd.f32 v1, v60;
	(pc) =	sbr.rel @!p0 .LBB2_8-.Ltmp4, $4  }
0x79: {  	v2 =	vadd.f32 v57, v2  }
0x7a: {  	[tilespmem:s18+$0x6000] =	vst v1;
	v1 =	vadd.f32 v3, v63  }
0x7b: {  	[tilespmem:s18+$0x6010] =	vst v2  }
0x7c: {  	[tilespmem:s18+$0x6020] =	vst v1  }
.Ltmp5:
0x7d: {  	(pc) =	sbr.rel .LBB2_2-.Ltmp5, $3  }
0x7e: {  	_ =	sdelay $0x1  }
0x7f: {  	[tilespmem:s19], [sflag:$0x2] =	stream.linear.gather [hbm4b:s9+s2], $0x1800, $0x38;
	[tilespmem:$0x6080] =	vst v63  }
0x80: {  	s18 =	simm.s32 $0xC0;
	p0 =	por $0x0, $0x0;
	s25 =	smov.u32 s10  }
.LBB2_9:
0x81: {  	_ =	sfence.sel $0x180000  }
0x82: {  	[bflag:$0x0] =	sbarrier.arrive $0xFFFF  }
0x83: {  	_ =	strace $0x90000047  }
0x84: {  	s0 =	stileid.u32;
	[bflag:$0x2] =	sbarrier.arrive $0xFFFF  }
0x85: {  	p0 =	sne.s32 s0, $0x0;
	s0 =	rddreg [dreg:$0x3]  }
0x86: {  	s0 =	sadd.s32 @!p0 $0x100000, s0  }
0x87: {  	[sflag:s0] =	ssyncadd.tile.s32 @!p0 $0x1;
	_ =	shalt  }
.Lfunc_end2:
_tile_overlayer_lowered:
.L_overlay_start_2:
0x88: {  	(tag) =	ssettag $0x2  }
0x89: {  	s0 =	rddreg [dreg:$0x0];
	s2 =	stileid.u32  }
0x8a: {  	s1 =	rddreg [dreg:$0x1];
	p0 =	sne.s32 s2, $0x0  }
0x8b: {  	s3 =	rddreg [dreg:$0x2];
	[bflag:$0x3] =	sbarrier.arrive $0xFFFF;
	s2 =	simm.s32 @!p0 $0x1C05  }
0x8c: {  	[timem:s3], [sflag:s2] =	dma.local @!p0 [hbm:s0], s1  }
0x8d: {  	s0 =	simm.s32 @!p0 $0x5  }
0x8e: {  	_ =	swait.ge @!p0 [sflag:s0], s1  }
0x8f: {  	s1 =	ssub.s32 @!p0 $0x0, s1;
	[sflag:s0] =	ssyncset.done @!p0 $0x0  }
0x90: {  	[sflag:s0] =	ssyncadd.s32 @!p0 s1  }
0x91: {  	[bflag:$0x3] =	sbarrier.arrive $0xFFFF  }
0x92: {  	_ =	shalt  }

</sc_bundles>
